<compile_context>
chip_gen: v7x
topology: tpu7x:2x2x1
jax: 0.10.2.dev20260603
libtpu: 0.0.44.dev20260713+nightly
codegen_flags: <defaults>
</compile_context>

<pallas_src>
import functools

import jax
import jax.numpy as jnp
from jax import lax
from jax.experimental import pallas as pl
from jax.experimental.pallas import tpu as pltpu
from jax.experimental.pallas import tpu_sc as plsc

B = 4096
L = 200
D = 64

NC = 2
NS = 16
NW = NC * NS

ROWS = B * L
RPW = ROWS // NW
C = 256
NCH = RPW // C
G = C // 128


def _make_kernel():
    mesh = plsc.VectorSubcoreMesh(core_axis_name="c", subcore_axis_name="s")

    @functools.partial(
        pl.kernel,
        mesh=mesh,
        compiler_params=pltpu.CompilerParams(use_tc_tiling_on_sc=False),
        out_type=jax.ShapeDtypeStruct((ROWS, 2 * D), jnp.float32),
        scratch_types=[
            pltpu.VMEM((RPW,), jnp.int32),
            pltpu.VMEM((L * D,), jnp.float32),
            pltpu.VMEM((C, D), jnp.float32),
            pltpu.VMEM((C, D), jnp.float32),
            pltpu.VMEM((C, D), jnp.float32),
            pltpu.VMEM((C, D), jnp.float32),
            pltpu.SemaphoreType.DMA,
            pltpu.SemaphoreType.DMA,
            pltpu.SemaphoreType.DMA,
            pltpu.SemaphoreType.DMA,
        ],
    )
    def emb_kernel(xf_hbm, tok_hbm, posf_hbm, out_hbm,
                   idx_v, pos_v, g0, g1, o0, o1,
                   gsem0, gsem1, osem0, osem1):
        wid = lax.axis_index("s") * NC + lax.axis_index("c")
        base = wid * RPW
        g = (g0, g1)
        o = (o0, o1)
        gsem = (gsem0, gsem1)
        osem = (osem0, osem1)

        pltpu.sync_copy(xf_hbm.at[pl.ds(base, RPW)], idx_v)
        pltpu.sync_copy(posf_hbm, pos_v)

        def start_gathers(i, b):
            for k in range(G):
                ioff = pl.multiple_of(i * C + k * 128, 8)
                pltpu.async_copy(
                    tok_hbm.at[idx_v.at[pl.ds(ioff, 128)]],
                    g[b].at[pl.ds(k * 128, 128)],
                    gsem[b],
                )

        def wait_gathers(b):
            pltpu.make_async_copy(tok_hbm.at[pl.ds(0, C)], g[b], gsem[b]).wait()

        def wait_store(b):
            pltpu.make_async_copy(
                o[b], out_hbm.at[pl.ds(0, C), pl.ds(0, D)], osem[b]
            ).wait()

        def add_pos(i, b):
            p0 = lax.rem(i * C, L)

            @plsc.parallel_loop(0, C, 1, unroll=8)
            def _row_body(r):
                p = p0 + r
                p = lax.select(p >= L, p - L, p)
                p = lax.select(p >= L, p - L, p)
                pb = pl.multiple_of(p * D, 8)
                for k in range(D // 16):
                    o[b][r, pl.ds(k * 16, 16)] = (
                        g[b][r, pl.ds(k * 16, 16)]
                        + pos_v[pl.ds(pb + k * 16, 16)]
                    )

        start_gathers(0, 0)

        def pair_body(h, carry):
            for b in range(2):
                i = 2 * h + b
                pl.when(i + 1 < NCH)(lambda: start_gathers(i + 1, 1 - b))
                wait_gathers(b)
                pl.when(i >= 2)(lambda: wait_store(b))
                add_pos(i, b)
                pltpu.async_copy(
                    o[b],
                    out_hbm.at[pl.ds(base + i * C, C), pl.ds(0, D)],
                    osem[b],
                )
            return carry

        lax.fori_loop(0, NCH // 2, pair_body, 0)
        wait_store(0)
        wait_store(1)

    return emb_kernel


_emb = _make_kernel()


@jax.jit
def kernel(x, token_table, pos_table):
    xf = x.reshape(-1)
    posf = pos_table[:L].reshape(-1)
    out2 = _emb(xf, token_table, posf)
    return out2[:, :D].reshape(B, L, D)

# --- scband reference (transcript-rebuilt; emitter-appended) ---
"""Pipeline reference for scband-embedding-with-position-54485955117519 (READ-ONLY COPY).

The authoritative reference and input builder live on the scoring server;
editing this copy changes nothing except your own understanding.
"""

import jax, jax.numpy as jnp
import numpy as np

VOCAB = 1000000
MAX_LEN = 2048
EMBED_DIM = 64
B = 4096
L = 200

def setup_inputs(seed: int = 0) -> dict:
    key = jax.random.key(seed)
    k_x, k_tok, k_pos = jax.random.split(key, 3)
    x = jax.random.randint(k_x, (B, L), 0, VOCAB, dtype=jnp.int64 if jax.config.jax_enable_x64 else jnp.int32).astype(jnp.int32)
    token_table = jax.random.normal(k_tok, (VOCAB, EMBED_DIM), dtype=jnp.float32)
    pos_table = jax.random.normal(k_pos, (MAX_LEN, EMBED_DIM), dtype=jnp.float32)
    return {"x": x, "token_table": token_table, "pos_table": pos_table}

def reference(x, token_table, pos_table):
    batch_size, seq_len = x.shape
    # TokenEmbedding: token_table[x]
    tok = jnp.take(token_table, x, axis=0)  # [B, L, D]
    # PositionalEncoding: positions = arange(seq_len) expanded over batch
    positions = jnp.arange(seq_len)
    pos = jnp.take(pos_table, positions, axis=0)  # [L, D]
    pos = jnp.broadcast_to(pos[None, :, :], (batch_size, seq_len, pos.shape[-1]))
    return tok + pos

if __name__ == "__main__":
    import jax
    _d = setup_inputs()
    print(jax.jit(kernel)(*tuple(_d.values())))

</pallas_src>

<mosaic_0001>
#map = affine_map<(d0, d1) -> (0)>
#map1 = affine_map<(d0, d1) -> (0, 0)>
module attributes {stable_mosaic.version = 14 : i64} {
  func.func @emb_kernel(%arg0: i32, %arg1: i32, %arg2: memref<819200xi32, #tpu.memory_space<hbm>>, %arg3: memref<1000000x64xf32, #tpu.memory_space<hbm>>, %arg4: memref<12800xf32, #tpu.memory_space<hbm>>, %arg5: memref<819200x128xf32, #tpu.memory_space<hbm>>, %arg6: memref<25600xi32, #tpu.memory_space<vmem>>, %arg7: memref<12800xf32, #tpu.memory_space<vmem>>, %arg8: memref<256x64xf32, #tpu.memory_space<vmem>>, %arg9: memref<256x64xf32, #tpu.memory_space<vmem>>, %arg10: memref<256x64xf32, #tpu.memory_space<vmem>>, %arg11: memref<256x64xf32, #tpu.memory_space<vmem>>, %arg12: memref<!tpu.dma_semaphore, #tpu.memory_space<semaphore_mem>>, %arg13: memref<!tpu.dma_semaphore, #tpu.memory_space<semaphore_mem>>, %arg14: memref<!tpu.dma_semaphore, #tpu.memory_space<semaphore_mem>>, %arg15: memref<!tpu.dma_semaphore, #tpu.memory_space<semaphore_mem>>) attributes {dimension_semantics = [#tpu.dimension_semantics<core_parallel>, #tpu.dimension_semantics<subcore_parallel>], iteration_bounds = array<i64: 2, 16>, scalar_prefetch = 0 : i64, scratch_operands = 10 : i64, tpu.core_type = #tpu.core_type<sc_vector_subcore>, window_params = [{transform_indices = #map}, {transform_indices = #map1}, {transform_indices = #map}, {transform_indices = #map1}]} {
    %mul3A = arith.constant 2 : i32
    %mul3A_0 = arith.muli %arg1, %mul3A : i32
    %add3A = arith.addi %mul3A_0, %arg0 : i32
    %mul3A_1 = arith.constant 25600 : i32
    %mul3A_2 = arith.muli %add3A, %mul3A_1 : i32
    "tpu.region"() ({
      %run_scoped3A = tpu.sem_alloc : memref<!tpu.dma_semaphore, #tpu.memory_space<semaphore_mem>>
      %dma_start3A_35 = tpu.memref_slice %arg2[%mul3A_2] : memref<819200xi32, #tpu.memory_space<hbm>> -> memref<25600xi32, #tpu.memory_space<hbm>>
      %dma_start3A_36 = tpu.memref_slice %arg2[%mul3A_2] : memref<819200xi32, #tpu.memory_space<hbm>> -> memref<25600xi32, #tpu.memory_space<hbm>>
      tpu.enqueue_dma source(%dma_start3A_36 : memref<25600xi32, #tpu.memory_space<hbm>>) target(%arg6 : memref<25600xi32, #tpu.memory_space<vmem>>) target_semaphore(%run_scoped3A : memref<!tpu.dma_semaphore, #tpu.memory_space<semaphore_mem>>)
      %dma_wait3A_37 = tpu.memref_slice %arg2[%mul3A_2] : memref<819200xi32, #tpu.memory_space<hbm>> -> memref<25600xi32, #tpu.memory_space<hbm>>
      %dma_wait3A_38 = tpu.memref_slice %arg2[%mul3A_2] : memref<819200xi32, #tpu.memory_space<hbm>> -> memref<25600xi32, #tpu.memory_space<hbm>>
      tpu.wait_dma2 semaphore(%run_scoped3A : memref<!tpu.dma_semaphore, #tpu.memory_space<semaphore_mem>>) src(%dma_wait3A_38 : memref<25600xi32, #tpu.memory_space<hbm>>) dst(%arg6 : memref<25600xi32, #tpu.memory_space<vmem>>)
      tpu.yield
    }) : () -> ()
    "tpu.region"() ({
      %run_scoped3A = tpu.sem_alloc : memref<!tpu.dma_semaphore, #tpu.memory_space<semaphore_mem>>
      tpu.enqueue_dma source(%arg4 : memref<12800xf32, #tpu.memory_space<hbm>>) target(%arg7 : memref<12800xf32, #tpu.memory_space<vmem>>) target_semaphore(%run_scoped3A : memref<!tpu.dma_semaphore, #tpu.memory_space<semaphore_mem>>)
      tpu.wait_dma2 semaphore(%run_scoped3A : memref<!tpu.dma_semaphore, #tpu.memory_space<semaphore_mem>>) src(%arg4 : memref<12800xf32, #tpu.memory_space<hbm>>) dst(%arg7 : memref<12800xf32, #tpu.memory_space<vmem>>)
      tpu.yield
    }) : () -> ()
    %multiple_of3A = arith.constant 0 : i32
    %multiple_of3A_3 = tpu.assume_multiple %multiple_of3A, 8 : i32
    %dma_start3A = arith.constant 0 : i32
    %dma_start3A_4 = arith.constant 0 : i32
    %dma_start3A_5 = tpu.memref_slice %arg8[%dma_start3A, %dma_start3A_4] : memref<256x64xf32, #tpu.memory_space<vmem>> -> memref<128x64xf32, #tpu.memory_space<vmem>>
    %dma_start3A_6 = tpu.memref_slice %arg6[%multiple_of3A_3] : memref<25600xi32, #tpu.memory_space<vmem>> -> memref<128xi32, #tpu.memory_space<vmem>>
    %dma_start3A_7 = arith.constant 0 : i32
    %dma_start3A_8 = arith.constant 0 : i32
    %dma_start3A_9 = tpu.memref_slice %arg3[%dma_start3A_7, %dma_start3A_8] : memref<1000000x64xf32, #tpu.memory_space<hbm>> -> memref<1000000x64xf32, #tpu.memory_space<hbm>>
    tpu.enqueue_indirect_dma source(%dma_start3A_9 : memref<1000000x64xf32, #tpu.memory_space<hbm>>) target(%dma_start3A_5 : memref<128x64xf32, #tpu.memory_space<vmem>>) offsets(%dma_start3A_6 : memref<128xi32, #tpu.memory_space<vmem>>) semaphore(%arg12 : memref<!tpu.dma_semaphore, #tpu.memory_space<semaphore_mem>>)
    %multiple_of3A_10 = arith.constant 128 : i32
    %multiple_of3A_11 = tpu.assume_multiple %multiple_of3A_10, 8 : i32
    %dma_start3A_12 = arith.constant 128 : i32
    %dma_start3A_13 = arith.constant 0 : i32
    %dma_start3A_14 = tpu.memref_slice %arg8[%dma_start3A_12, %dma_start3A_13] : memref<256x64xf32, #tpu.memory_space<vmem>> -> memref<128x64xf32, #tpu.memory_space<vmem>>
    %dma_start3A_15 = tpu.memref_slice %arg6[%multiple_of3A_11] : memref<25600xi32, #tpu.memory_space<vmem>> -> memref<128xi32, #tpu.memory_space<vmem>>
    %dma_start3A_16 = arith.constant 0 : i32
    %dma_start3A_17 = arith.constant 0 : i32
    %dma_start3A_18 = tpu.memref_slice %arg3[%dma_start3A_16, %dma_start3A_17] : memref<1000000x64xf32, #tpu.memory_space<hbm>> -> memref<1000000x64xf32, #tpu.memory_space<hbm>>
    tpu.enqueue_indirect_dma source(%dma_start3A_18 : memref<1000000x64xf32, #tpu.memory_space<hbm>>) target(%dma_start3A_14 : memref<128x64xf32, #tpu.memory_space<vmem>>) offsets(%dma_start3A_15 : memref<128xi32, #tpu.memory_space<vmem>>) semaphore(%arg12 : memref<!tpu.dma_semaphore, #tpu.memory_space<semaphore_mem>>)
    %scan3A = arith.constant 0 : i32
    %scan3A_19 = arith.constant 0 : i32
    %scan3A_20 = arith.constant 50 : i32
    %scan3A_21 = arith.addi %scan3A_19, %scan3A_20 : i32
    %scan3A_22 = arith.constant 1 : i32
    scf.for %scan3A_35 = %scan3A_19 to %scan3A_21 step %scan3A_22  : i32 {
      %mul3A_36 = arith.constant 2 : i32
      %mul3A_37 = arith.muli %mul3A_36, %scan3A_35 : i32
      %add3A_38 = arith.constant 0 : i32
      %add3A_39 = arith.addi %mul3A_37, %add3A_38 : i32
      %add3A_40 = arith.constant 1 : i32
      %add3A_41 = arith.addi %add3A_39, %add3A_40 : i32
      %lt3A = arith.constant 100 : i32
      %lt3A_42 = arith.cmpi slt, %add3A_41, %lt3A : i32
      %convert_element_type3A = arith.extui %lt3A_42 : i1 to i32
      %cond3A = arith.constant 0 : i32
      %cond3A_43 = arith.cmpi ne, %convert_element_type3A, %cond3A : i32
      scf.if %cond3A_43 {
        %add3A_102 = arith.constant 1 : i32
        %add3A_103 = arith.addi %add3A_39, %add3A_102 : i32
        %mul3A_104 = arith.constant 256 : i32
        %mul3A_105 = arith.muli %add3A_103, %mul3A_104 : i32
        %add3A_106 = arith.constant 0 : i32
        %add3A_107 = arith.addi %mul3A_105, %add3A_106 : i32
        %multiple_of3A_108 = tpu.assume_multiple %add3A_107, 8 : i32
        %dma_start3A_109 = arith.constant 0 : i32
        %dma_start3A_110 = arith.constant 0 : i32
        %dma_start3A_111 = tpu.memref_slice %arg9[%dma_start3A_109, %dma_start3A_110] : memref<256x64xf32, #tpu.memory_space<vmem>> -> memref<128x64xf32, #tpu.memory_space<vmem>>
        %dma_start3A_112 = tpu.memref_slice %arg6[%multiple_of3A_108] : memref<25600xi32, #tpu.memory_space<vmem>> -> memref<128xi32, #tpu.memory_space<vmem>>
        %dma_start3A_113 = arith.constant 0 : i32
        %dma_start3A_114 = arith.constant 0 : i32
        %dma_start3A_115 = tpu.memref_slice %arg3[%dma_start3A_113, %dma_start3A_114] : memref<1000000x64xf32, #tpu.memory_space<hbm>> -> memref<1000000x64xf32, #tpu.memory_space<hbm>>
        tpu.enqueue_indirect_dma source(%dma_start3A_115 : memref<1000000x64xf32, #tpu.memory_space<hbm>>) target(%dma_start3A_111 : memref<128x64xf32, #tpu.memory_space<vmem>>) offsets(%dma_start3A_112 : memref<128xi32, #tpu.memory_space<vmem>>) semaphore(%arg13 : memref<!tpu.dma_semaphore, #tpu.memory_space<semaphore_mem>>)
        %mul3A_116 = arith.constant 256 : i32
        %mul3A_117 = arith.muli %add3A_103, %mul3A_116 : i32
        %add3A_118 = arith.constant 128 : i32
        %add3A_119 = arith.addi %mul3A_117, %add3A_118 : i32
        %multiple_of3A_120 = tpu.assume_multiple %add3A_119, 8 : i32
        %dma_start3A_121 = arith.constant 128 : i32
        %dma_start3A_122 = arith.constant 0 : i32
        %dma_start3A_123 = tpu.memref_slice %arg9[%dma_start3A_121, %dma_start3A_122] : memref<256x64xf32, #tpu.memory_space<vmem>> -> memref<128x64xf32, #tpu.memory_space<vmem>>
        %dma_start3A_124 = tpu.memref_slice %arg6[%multiple_of3A_120] : memref<25600xi32, #tpu.memory_space<vmem>> -> memref<128xi32, #tpu.memory_space<vmem>>
        %dma_start3A_125 = arith.constant 0 : i32
        %dma_start3A_126 = arith.constant 0 : i32
        %dma_start3A_127 = tpu.memref_slice %arg3[%dma_start3A_125, %dma_start3A_126] : memref<1000000x64xf32, #tpu.memory_space<hbm>> -> memref<1000000x64xf32, #tpu.memory_space<hbm>>
        tpu.enqueue_indirect_dma source(%dma_start3A_127 : memref<1000000x64xf32, #tpu.memory_space<hbm>>) target(%dma_start3A_123 : memref<128x64xf32, #tpu.memory_space<vmem>>) offsets(%dma_start3A_124 : memref<128xi32, #tpu.memory_space<vmem>>) semaphore(%arg13 : memref<!tpu.dma_semaphore, #tpu.memory_space<semaphore_mem>>)
      } else {
      }
      %dma_wait3A_44 = arith.constant 0 : i32
      %dma_wait3A_45 = arith.constant 0 : i32
      %dma_wait3A_46 = tpu.memref_slice %arg3[%dma_wait3A_44, %dma_wait3A_45] : memref<1000000x64xf32, #tpu.memory_space<hbm>> -> memref<256x64xf32, #tpu.memory_space<hbm>>
      %dma_wait3A_47 = arith.constant 0 : i32
      %dma_wait3A_48 = arith.constant 0 : i32
      %dma_wait3A_49 = tpu.memref_slice %arg3[%dma_wait3A_47, %dma_wait3A_48] : memref<1000000x64xf32, #tpu.memory_space<hbm>> -> memref<256x64xf32, #tpu.memory_space<hbm>>
      tpu.wait_dma2 semaphore(%arg12 : memref<!tpu.dma_semaphore, #tpu.memory_space<semaphore_mem>>) src(%dma_wait3A_49 : memref<256x64xf32, #tpu.memory_space<hbm>>) dst(%arg8 : memref<256x64xf32, #tpu.memory_space<vmem>>)
      %ge3A = arith.constant 2 : i32
      %ge3A_50 = arith.cmpi sge, %add3A_39, %ge3A : i32
      %convert_element_type3A_51 = arith.extui %ge3A_50 : i1 to i32
      %cond3A_52 = arith.constant 0 : i32
      %cond3A_53 = arith.cmpi ne, %convert_element_type3A_51, %cond3A_52 : i32
      scf.if %cond3A_53 {
        %dma_wait3A_102 = arith.constant 0 : i32
        %dma_wait3A_103 = arith.constant 0 : i32
        %dma_wait3A_104 = tpu.memref_slice %arg5[%dma_wait3A_102, %dma_wait3A_103] : memref<819200x128xf32, #tpu.memory_space<hbm>> -> memref<256x64xf32, #tpu.memory_space<hbm>>
        %dma_wait3A_105 = arith.constant 0 : i32
        %dma_wait3A_106 = arith.constant 0 : i32
        %dma_wait3A_107 = tpu.memref_slice %arg5[%dma_wait3A_105, %dma_wait3A_106] : memref<819200x128xf32, #tpu.memory_space<hbm>> -> memref<256x64xf32, #tpu.memory_space<hbm>>
        tpu.wait_dma2 semaphore(%arg14 : memref<!tpu.dma_semaphore, #tpu.memory_space<semaphore_mem>>) src(%arg10 : memref<256x64xf32, #tpu.memory_space<vmem>>) dst(%dma_wait3A_107 : memref<256x64xf32, #tpu.memory_space<hbm>>)
      } else {
      }
      %mul3A_54 = arith.constant 256 : i32
      %mul3A_55 = arith.muli %add3A_39, %mul3A_54 : i32
      %rem3A = arith.constant 200 : i32
      %rem3A_56 = arith.remsi %mul3A_55, %rem3A : i32
      %parallel_loop3A = arith.constant 0 : i32
      %parallel_loop3A_57 = arith.constant 256 : i32
      %parallel_loop3A_58 = arith.constant 1 : i32
      scf.for %parallel_loop3A_102 = %parallel_loop3A to %parallel_loop3A_57 step %parallel_loop3A_58  : i32 {
        %parallel_loop3A_103 = arith.addi %rem3A_56, %parallel_loop3A_102 : i32
        %parallel_loop3A_104 = arith.constant 200 : i32
        %parallel_loop3A_105 = arith.cmpi sge, %parallel_loop3A_103, %parallel_loop3A_104 : i32
        %parallel_loop3A_106 = arith.constant 200 : i32
        %parallel_loop3A_107 = arith.subi %parallel_loop3A_103, %parallel_loop3A_106 : i32
        %parallel_loop3A_108 = arith.select %parallel_loop3A_105, %parallel_loop3A_107, %parallel_loop3A_103 : i32
        %parallel_loop3A_109 = arith.constant 200 : i32
        %parallel_loop3A_110 = arith.cmpi sge, %parallel_loop3A_108, %parallel_loop3A_109 : i32
        %parallel_loop3A_111 = arith.constant 200 : i32
        %parallel_loop3A_112 = arith.subi %parallel_loop3A_108, %parallel_loop3A_111 : i32
        %parallel_loop3A_113 = arith.select %parallel_loop3A_110, %parallel_loop3A_112, %parallel_loop3A_108 : i32
        %parallel_loop3A_114 = arith.constant 64 : i32
        %parallel_loop3A_115 = arith.muli %parallel_loop3A_113, %parallel_loop3A_114 : i32
        %parallel_loop3A_116 = tpu.assume_multiple %parallel_loop3A_115, 8 : i32
        %parallel_loop3A_117 = arith.index_cast %parallel_loop3A_102 : i32 to index
        %parallel_loop3A_118 = arith.constant 0 : index
        %parallel_loop3A_119 = tpu.vector_load %arg8[%parallel_loop3A_117, %parallel_loop3A_118] {strides = array<i32>} : memref<256x64xf32, #tpu.memory_space<vmem>>, vector<1x16xf32>,
        %parallel_loop3A_120 = vector.shape_cast %parallel_loop3A_119 : vector<1x16xf32> to vector<16xf32>
        %parallel_loop3A_121 = arith.constant 0 : i32
        %parallel_loop3A_122 = arith.addi %parallel_loop3A_116, %parallel_loop3A_121 : i32
        %parallel_loop3A_123 = arith.index_cast %parallel_loop3A_122 : i32 to index
        %parallel_loop3A_124 = tpu.vector_load %arg7[%parallel_loop3A_123] {strides = array<i32>} : memref<12800xf32, #tpu.memory_space<vmem>>, vector<16xf32>,
        %parallel_loop3A_125 = vector.shape_cast %parallel_loop3A_124 : vector<16xf32> to vector<16xf32>
        %parallel_loop3A_126 = arith.addf %parallel_loop3A_120, %parallel_loop3A_125 : vector<16xf32>
        %parallel_loop3A_127 = arith.index_cast %parallel_loop3A_102 : i32 to index
        %parallel_loop3A_128 = arith.constant 0 : index
        %parallel_loop3A_129 = tpu.vector_load %arg10[%parallel_loop3A_127, %parallel_loop3A_128] {strides = array<i32>} : memref<256x64xf32, #tpu.memory_space<vmem>>, vector<1x16xf32>,
        %parallel_loop3A_130 = vector.shape_cast %parallel_loop3A_129 : vector<1x16xf32> to vector<16xf32>
        %parallel_loop3A_131 = vector.shape_cast %parallel_loop3A_126 : vector<16xf32> to vector<1x16xf32>
        tpu.vector_store %arg10[%parallel_loop3A_127, %parallel_loop3A_128], %parallel_loop3A_131 {strides = array<i32>} : memref<256x64xf32, #tpu.memory_space<vmem>>, vector<1x16xf32>,
        %parallel_loop3A_132 = arith.index_cast %parallel_loop3A_102 : i32 to index
        %parallel_loop3A_133 = arith.constant 16 : index
        %parallel_loop3A_134 = tpu.vector_load %arg8[%parallel_loop3A_132, %parallel_loop3A_133] {strides = array<i32>} : memref<256x64xf32, #tpu.memory_space<vmem>>, vector<1x16xf32>,
        %parallel_loop3A_135 = vector.shape_cast %parallel_loop3A_134 : vector<1x16xf32> to vector<16xf32>
        %parallel_loop3A_136 = arith.constant 16 : i32
        %parallel_loop3A_137 = arith.addi %parallel_loop3A_116, %parallel_loop3A_136 : i32
        %parallel_loop3A_138 = arith.index_cast %parallel_loop3A_137 : i32 to index
        %parallel_loop3A_139 = tpu.vector_load %arg7[%parallel_loop3A_138] {strides = array<i32>} : memref<12800xf32, #tpu.memory_space<vmem>>, vector<16xf32>,
        %parallel_loop3A_140 = vector.shape_cast %parallel_loop3A_139 : vector<16xf32> to vector<16xf32>
        %parallel_loop3A_141 = arith.addf %parallel_loop3A_135, %parallel_loop3A_140 : vector<16xf32>
        %parallel_loop3A_142 = arith.index_cast %parallel_loop3A_102 : i32 to index
        %parallel_loop3A_143 = arith.constant 16 : index
        %parallel_loop3A_144 = tpu.vector_load %arg10[%parallel_loop3A_142, %parallel_loop3A_143] {strides = array<i32>} : memref<256x64xf32, #tpu.memory_space<vmem>>, vector<1x16xf32>,
        %parallel_loop3A_145 = vector.shape_cast %parallel_loop3A_144 : vector<1x16xf32> to vector<16xf32>
        %parallel_loop3A_146 = vector.shape_cast %parallel_loop3A_141 : vector<16xf32> to vector<1x16xf32>
        tpu.vector_store %arg10[%parallel_loop3A_142, %parallel_loop3A_143], %parallel_loop3A_146 {strides = array<i32>} : memref<256x64xf32, #tpu.memory_space<vmem>>, vector<1x16xf32>,
        %parallel_loop3A_147 = arith.index_cast %parallel_loop3A_102 : i32 to index
        %parallel_loop3A_148 = arith.constant 32 : index
        %parallel_loop3A_149 = tpu.vector_load %arg8[%parallel_loop3A_147, %parallel_loop3A_148] {strides = array<i32>} : memref<256x64xf32, #tpu.memory_space<vmem>>, vector<1x16xf32>,
        %parallel_loop3A_150 = vector.shape_cast %parallel_loop3A_149 : vector<1x16xf32> to vector<16xf32>
        %parallel_loop3A_151 = arith.constant 32 : i32
        %parallel_loop3A_152 = arith.addi %parallel_loop3A_116, %parallel_loop3A_151 : i32
        %parallel_loop3A_153 = arith.index_cast %parallel_loop3A_152 : i32 to index
        %parallel_loop3A_154 = tpu.vector_load %arg7[%parallel_loop3A_153] {strides = array<i32>} : memref<12800xf32, #tpu.memory_space<vmem>>, vector<16xf32>,
        %parallel_loop3A_155 = vector.shape_cast %parallel_loop3A_154 : vector<16xf32> to vector<16xf32>
        %parallel_loop3A_156 = arith.addf %parallel_loop3A_150, %parallel_loop3A_155 : vector<16xf32>
        %parallel_loop3A_157 = arith.index_cast %parallel_loop3A_102 : i32 to index
        %parallel_loop3A_158 = arith.constant 32 : index
        %parallel_loop3A_159 = tpu.vector_load %arg10[%parallel_loop3A_157, %parallel_loop3A_158] {strides = array<i32>} : memref<256x64xf32, #tpu.memory_space<vmem>>, vector<1x16xf32>,
        %parallel_loop3A_160 = vector.shape_cast %parallel_loop3A_159 : vector<1x16xf32> to vector<16xf32>
        %parallel_loop3A_161 = vector.shape_cast %parallel_loop3A_156 : vector<16xf32> to vector<1x16xf32>
        tpu.vector_store %arg10[%parallel_loop3A_157, %parallel_loop3A_158], %parallel_loop3A_161 {strides = array<i32>} : memref<256x64xf32, #tpu.memory_space<vmem>>, vector<1x16xf32>,
        %parallel_loop3A_162 = arith.index_cast %parallel_loop3A_102 : i32 to index
        %parallel_loop3A_163 = arith.constant 48 : index
        %parallel_loop3A_164 = tpu.vector_load %arg8[%parallel_loop3A_162, %parallel_loop3A_163] {strides = array<i32>} : memref<256x64xf32, #tpu.memory_space<vmem>>, vector<1x16xf32>,
        %parallel_loop3A_165 = vector.shape_cast %parallel_loop3A_164 : vector<1x16xf32> to vector<16xf32>
        %parallel_loop3A_166 = arith.constant 48 : i32
        %parallel_loop3A_167 = arith.addi %parallel_loop3A_116, %parallel_loop3A_166 : i32
        %parallel_loop3A_168 = arith.index_cast %parallel_loop3A_167 : i32 to index
        %parallel_loop3A_169 = tpu.vector_load %arg7[%parallel_loop3A_168] {strides = array<i32>} : memref<12800xf32, #tpu.memory_space<vmem>>, vector<16xf32>,
        %parallel_loop3A_170 = vector.shape_cast %parallel_loop3A_169 : vector<16xf32> to vector<16xf32>
        %parallel_loop3A_171 = arith.addf %parallel_loop3A_165, %parallel_loop3A_170 : vector<16xf32>
        %parallel_loop3A_172 = arith.index_cast %parallel_loop3A_102 : i32 to index
        %parallel_loop3A_173 = arith.constant 48 : index
        %parallel_loop3A_174 = tpu.vector_load %arg10[%parallel_loop3A_172, %parallel_loop3A_173] {strides = array<i32>} : memref<256x64xf32, #tpu.memory_space<vmem>>, vector<1x16xf32>,
        %parallel_loop3A_175 = vector.shape_cast %parallel_loop3A_174 : vector<1x16xf32> to vector<16xf32>
        %parallel_loop3A_176 = vector.shape_cast %parallel_loop3A_171 : vector<16xf32> to vector<1x16xf32>
        tpu.vector_store %arg10[%parallel_loop3A_172, %parallel_loop3A_173], %parallel_loop3A_176 {strides = array<i32>} : memref<256x64xf32, #tpu.memory_space<vmem>>, vector<1x16xf32>,
      } {sc.loop_unroll_factor = 8 : i64, sc.parallel_access}
      %mul3A_59 = arith.constant 256 : i32
      %mul3A_60 = arith.muli %add3A_39, %mul3A_59 : i32
      %add3A_61 = arith.addi %mul3A_2, %mul3A_60 : i32
      %dma_start3A_62 = arith.constant 0 : i32
      %dma_start3A_63 = tpu.memref_slice %arg5[%add3A_61, %dma_start3A_62] : memref<819200x128xf32, #tpu.memory_space<hbm>> -> memref<256x64xf32, #tpu.memory_space<hbm>>
      %dma_start3A_64 = arith.constant 0 : i32
      %dma_start3A_65 = tpu.memref_slice %arg5[%add3A_61, %dma_start3A_64] : memref<819200x128xf32, #tpu.memory_space<hbm>> -> memref<256x64xf32, #tpu.memory_space<hbm>>
      tpu.enqueue_dma source(%arg10 : memref<256x64xf32, #tpu.memory_space<vmem>>) target(%dma_start3A_65 : memref<256x64xf32, #tpu.memory_space<hbm>>) target_semaphore(%arg14 : memref<!tpu.dma_semaphore, #tpu.memory_space<semaphore_mem>>)
      %mul3A_66 = arith.constant 2 : i32
      %mul3A_67 = arith.muli %mul3A_66, %scan3A_35 : i32
      %add3A_68 = arith.constant 1 : i32
      %add3A_69 = arith.addi %mul3A_67, %add3A_68 : i32
      %add3A_70 = arith.constant 1 : i32
      %add3A_71 = arith.addi %add3A_69, %add3A_70 : i32
      %lt3A_72 = arith.constant 100 : i32
      %lt3A_73 = arith.cmpi slt, %add3A_71, %lt3A_72 : i32
      %convert_element_type3A_74 = arith.extui %lt3A_73 : i1 to i32
      %cond3A_75 = arith.constant 0 : i32
      %cond3A_76 = arith.cmpi ne, %convert_element_type3A_74, %cond3A_75 : i32
      scf.if %cond3A_76 {
        %add3A_102 = arith.constant 1 : i32
        %add3A_103 = arith.addi %add3A_69, %add3A_102 : i32
        %mul3A_104 = arith.constant 256 : i32
        %mul3A_105 = arith.muli %add3A_103, %mul3A_104 : i32
        %add3A_106 = arith.constant 0 : i32
        %add3A_107 = arith.addi %mul3A_105, %add3A_106 : i32
        %multiple_of3A_108 = tpu.assume_multiple %add3A_107, 8 : i32
        %dma_start3A_109 = arith.constant 0 : i32
        %dma_start3A_110 = arith.constant 0 : i32
        %dma_start3A_111 = tpu.memref_slice %arg8[%dma_start3A_109, %dma_start3A_110] : memref<256x64xf32, #tpu.memory_space<vmem>> -> memref<128x64xf32, #tpu.memory_space<vmem>>
        %dma_start3A_112 = tpu.memref_slice %arg6[%multiple_of3A_108] : memref<25600xi32, #tpu.memory_space<vmem>> -> memref<128xi32, #tpu.memory_space<vmem>>
        %dma_start3A_113 = arith.constant 0 : i32
        %dma_start3A_114 = arith.constant 0 : i32
        %dma_start3A_115 = tpu.memref_slice %arg3[%dma_start3A_113, %dma_start3A_114] : memref<1000000x64xf32, #tpu.memory_space<hbm>> -> memref<1000000x64xf32, #tpu.memory_space<hbm>>
        tpu.enqueue_indirect_dma source(%dma_start3A_115 : memref<1000000x64xf32, #tpu.memory_space<hbm>>) target(%dma_start3A_111 : memref<128x64xf32, #tpu.memory_space<vmem>>) offsets(%dma_start3A_112 : memref<128xi32, #tpu.memory_space<vmem>>) semaphore(%arg12 : memref<!tpu.dma_semaphore, #tpu.memory_space<semaphore_mem>>)
        %mul3A_116 = arith.constant 256 : i32
        %mul3A_117 = arith.muli %add3A_103, %mul3A_116 : i32
        %add3A_118 = arith.constant 128 : i32
        %add3A_119 = arith.addi %mul3A_117, %add3A_118 : i32
        %multiple_of3A_120 = tpu.assume_multiple %add3A_119, 8 : i32
        %dma_start3A_121 = arith.constant 128 : i32
        %dma_start3A_122 = arith.constant 0 : i32
        %dma_start3A_123 = tpu.memref_slice %arg8[%dma_start3A_121, %dma_start3A_122] : memref<256x64xf32, #tpu.memory_space<vmem>> -> memref<128x64xf32, #tpu.memory_space<vmem>>
        %dma_start3A_124 = tpu.memref_slice %arg6[%multiple_of3A_120] : memref<25600xi32, #tpu.memory_space<vmem>> -> memref<128xi32, #tpu.memory_space<vmem>>
        %dma_start3A_125 = arith.constant 0 : i32
        %dma_start3A_126 = arith.constant 0 : i32
        %dma_start3A_127 = tpu.memref_slice %arg3[%dma_start3A_125, %dma_start3A_126] : memref<1000000x64xf32, #tpu.memory_space<hbm>> -> memref<1000000x64xf32, #tpu.memory_space<hbm>>
        tpu.enqueue_indirect_dma source(%dma_start3A_127 : memref<1000000x64xf32, #tpu.memory_space<hbm>>) target(%dma_start3A_123 : memref<128x64xf32, #tpu.memory_space<vmem>>) offsets(%dma_start3A_124 : memref<128xi32, #tpu.memory_space<vmem>>) semaphore(%arg12 : memref<!tpu.dma_semaphore, #tpu.memory_space<semaphore_mem>>)
      } else {
      }
      %dma_wait3A_77 = arith.constant 0 : i32
      %dma_wait3A_78 = arith.constant 0 : i32
      %dma_wait3A_79 = tpu.memref_slice %arg3[%dma_wait3A_77, %dma_wait3A_78] : memref<1000000x64xf32, #tpu.memory_space<hbm>> -> memref<256x64xf32, #tpu.memory_space<hbm>>
      %dma_wait3A_80 = arith.constant 0 : i32
      %dma_wait3A_81 = arith.constant 0 : i32
      %dma_wait3A_82 = tpu.memref_slice %arg3[%dma_wait3A_80, %dma_wait3A_81] : memref<1000000x64xf32, #tpu.memory_space<hbm>> -> memref<256x64xf32, #tpu.memory_space<hbm>>
      tpu.wait_dma2 semaphore(%arg13 : memref<!tpu.dma_semaphore, #tpu.memory_space<semaphore_mem>>) src(%dma_wait3A_82 : memref<256x64xf32, #tpu.memory_space<hbm>>) dst(%arg9 : memref<256x64xf32, #tpu.memory_space<vmem>>)
      %ge3A_83 = arith.constant 2 : i32
      %ge3A_84 = arith.cmpi sge, %add3A_69, %ge3A_83 : i32
      %convert_element_type3A_85 = arith.extui %ge3A_84 : i1 to i32
      %cond3A_86 = arith.constant 0 : i32
      %cond3A_87 = arith.cmpi ne, %convert_element_type3A_85, %cond3A_86 : i32
      scf.if %cond3A_87 {
        %dma_wait3A_102 = arith.constant 0 : i32
        %dma_wait3A_103 = arith.constant 0 : i32
        %dma_wait3A_104 = tpu.memref_slice %arg5[%dma_wait3A_102, %dma_wait3A_103] : memref<819200x128xf32, #tpu.memory_space<hbm>> -> memref<256x64xf32, #tpu.memory_space<hbm>>
        %dma_wait3A_105 = arith.constant 0 : i32
        %dma_wait3A_106 = arith.constant 0 : i32
        %dma_wait3A_107 = tpu.memref_slice %arg5[%dma_wait3A_105, %dma_wait3A_106] : memref<819200x128xf32, #tpu.memory_space<hbm>> -> memref<256x64xf32, #tpu.memory_space<hbm>>
        tpu.wait_dma2 semaphore(%arg15 : memref<!tpu.dma_semaphore, #tpu.memory_space<semaphore_mem>>) src(%arg11 : memref<256x64xf32, #tpu.memory_space<vmem>>) dst(%dma_wait3A_107 : memref<256x64xf32, #tpu.memory_space<hbm>>)
      } else {
      }
      %mul3A_88 = arith.constant 256 : i32
      %mul3A_89 = arith.muli %add3A_69, %mul3A_88 : i32
      %rem3A_90 = arith.constant 200 : i32
      %rem3A_91 = arith.remsi %mul3A_89, %rem3A_90 : i32
      %parallel_loop3A_92 = arith.constant 0 : i32
      %parallel_loop3A_93 = arith.constant 256 : i32
      %parallel_loop3A_94 = arith.constant 1 : i32
      scf.for %parallel_loop3A_102 = %parallel_loop3A_92 to %parallel_loop3A_93 step %parallel_loop3A_94  : i32 {
        %parallel_loop3A_103 = arith.addi %rem3A_91, %parallel_loop3A_102 : i32
        %parallel_loop3A_104 = arith.constant 200 : i32
        %parallel_loop3A_105 = arith.cmpi sge, %parallel_loop3A_103, %parallel_loop3A_104 : i32
        %parallel_loop3A_106 = arith.constant 200 : i32
        %parallel_loop3A_107 = arith.subi %parallel_loop3A_103, %parallel_loop3A_106 : i32
        %parallel_loop3A_108 = arith.select %parallel_loop3A_105, %parallel_loop3A_107, %parallel_loop3A_103 : i32
        %parallel_loop3A_109 = arith.constant 200 : i32
        %parallel_loop3A_110 = arith.cmpi sge, %parallel_loop3A_108, %parallel_loop3A_109 : i32
        %parallel_loop3A_111 = arith.constant 200 : i32
        %parallel_loop3A_112 = arith.subi %parallel_loop3A_108, %parallel_loop3A_111 : i32
        %parallel_loop3A_113 = arith.select %parallel_loop3A_110, %parallel_loop3A_112, %parallel_loop3A_108 : i32
        %parallel_loop3A_114 = arith.constant 64 : i32
        %parallel_loop3A_115 = arith.muli %parallel_loop3A_113, %parallel_loop3A_114 : i32
        %parallel_loop3A_116 = tpu.assume_multiple %parallel_loop3A_115, 8 : i32
        %parallel_loop3A_117 = arith.index_cast %parallel_loop3A_102 : i32 to index
        %parallel_loop3A_118 = arith.constant 0 : index
        %parallel_loop3A_119 = tpu.vector_load %arg9[%parallel_loop3A_117, %parallel_loop3A_118] {strides = array<i32>} : memref<256x64xf32, #tpu.memory_space<vmem>>, vector<1x16xf32>,
        %parallel_loop3A_120 = vector.shape_cast %parallel_loop3A_119 : vector<1x16xf32> to vector<16xf32>
        %parallel_loop3A_121 = arith.constant 0 : i32
        %parallel_loop3A_122 = arith.addi %parallel_loop3A_116, %parallel_loop3A_121 : i32
        %parallel_loop3A_123 = arith.index_cast %parallel_loop3A_122 : i32 to index
        %parallel_loop3A_124 = tpu.vector_load %arg7[%parallel_loop3A_123] {strides = array<i32>} : memref<12800xf32, #tpu.memory_space<vmem>>, vector<16xf32>,
        %parallel_loop3A_125 = vector.shape_cast %parallel_loop3A_124 : vector<16xf32> to vector<16xf32>
        %parallel_loop3A_126 = arith.addf %parallel_loop3A_120, %parallel_loop3A_125 : vector<16xf32>
        %parallel_loop3A_127 = arith.index_cast %parallel_loop3A_102 : i32 to index
        %parallel_loop3A_128 = arith.constant 0 : index
        %parallel_loop3A_129 = tpu.vector_load %arg11[%parallel_loop3A_127, %parallel_loop3A_128] {strides = array<i32>} : memref<256x64xf32, #tpu.memory_space<vmem>>, vector<1x16xf32>,
        %parallel_loop3A_130 = vector.shape_cast %parallel_loop3A_129 : vector<1x16xf32> to vector<16xf32>
        %parallel_loop3A_131 = vector.shape_cast %parallel_loop3A_126 : vector<16xf32> to vector<1x16xf32>
        tpu.vector_store %arg11[%parallel_loop3A_127, %parallel_loop3A_128], %parallel_loop3A_131 {strides = array<i32>} : memref<256x64xf32, #tpu.memory_space<vmem>>, vector<1x16xf32>,
        %parallel_loop3A_132 = arith.index_cast %parallel_loop3A_102 : i32 to index
        %parallel_loop3A_133 = arith.constant 16 : index
        %parallel_loop3A_134 = tpu.vector_load %arg9[%parallel_loop3A_132, %parallel_loop3A_133] {strides = array<i32>} : memref<256x64xf32, #tpu.memory_space<vmem>>, vector<1x16xf32>,
        %parallel_loop3A_135 = vector.shape_cast %parallel_loop3A_134 : vector<1x16xf32> to vector<16xf32>
        %parallel_loop3A_136 = arith.constant 16 : i32
        %parallel_loop3A_137 = arith.addi %parallel_loop3A_116, %parallel_loop3A_136 : i32
        %parallel_loop3A_138 = arith.index_cast %parallel_loop3A_137 : i32 to index
        %parallel_loop3A_139 = tpu.vector_load %arg7[%parallel_loop3A_138] {strides = array<i32>} : memref<12800xf32, #tpu.memory_space<vmem>>, vector<16xf32>,
        %parallel_loop3A_140 = vector.shape_cast %parallel_loop3A_139 : vector<16xf32> to vector<16xf32>
        %parallel_loop3A_141 = arith.addf %parallel_loop3A_135, %parallel_loop3A_140 : vector<16xf32>
        %parallel_loop3A_142 = arith.index_cast %parallel_loop3A_102 : i32 to index
        %parallel_loop3A_143 = arith.constant 16 : index
        %parallel_loop3A_144 = tpu.vector_load %arg11[%parallel_loop3A_142, %parallel_loop3A_143] {strides = array<i32>} : memref<256x64xf32, #tpu.memory_space<vmem>>, vector<1x16xf32>,
        %parallel_loop3A_145 = vector.shape_cast %parallel_loop3A_144 : vector<1x16xf32> to vector<16xf32>
        %parallel_loop3A_146 = vector.shape_cast %parallel_loop3A_141 : vector<16xf32> to vector<1x16xf32>
        tpu.vector_store %arg11[%parallel_loop3A_142, %parallel_loop3A_143], %parallel_loop3A_146 {strides = array<i32>} : memref<256x64xf32, #tpu.memory_space<vmem>>, vector<1x16xf32>,
        %parallel_loop3A_147 = arith.index_cast %parallel_loop3A_102 : i32 to index
        %parallel_loop3A_148 = arith.constant 32 : index
        %parallel_loop3A_149 = tpu.vector_load %arg9[%parallel_loop3A_147, %parallel_loop3A_148] {strides = array<i32>} : memref<256x64xf32, #tpu.memory_space<vmem>>, vector<1x16xf32>,
        %parallel_loop3A_150 = vector.shape_cast %parallel_loop3A_149 : vector<1x16xf32> to vector<16xf32>
        %parallel_loop3A_151 = arith.constant 32 : i32
        %parallel_loop3A_152 = arith.addi %parallel_loop3A_116, %parallel_loop3A_151 : i32
        %parallel_loop3A_153 = arith.index_cast %parallel_loop3A_152 : i32 to index
        %parallel_loop3A_154 = tpu.vector_load %arg7[%parallel_loop3A_153] {strides = array<i32>} : memref<12800xf32, #tpu.memory_space<vmem>>, vector<16xf32>,
        %parallel_loop3A_155 = vector.shape_cast %parallel_loop3A_154 : vector<16xf32> to vector<16xf32>
        %parallel_loop3A_156 = arith.addf %parallel_loop3A_150, %parallel_loop3A_155 : vector<16xf32>
        %parallel_loop3A_157 = arith.index_cast %parallel_loop3A_102 : i32 to index
        %parallel_loop3A_158 = arith.constant 32 : index
        %parallel_loop3A_159 = tpu.vector_load %arg11[%parallel_loop3A_157, %parallel_loop3A_158] {strides = array<i32>} : memref<256x64xf32, #tpu.memory_space<vmem>>, vector<1x16xf32>,
        %parallel_loop3A_160 = vector.shape_cast %parallel_loop3A_159 : vector<1x16xf32> to vector<16xf32>
        %parallel_loop3A_161 = vector.shape_cast %parallel_loop3A_156 : vector<16xf32> to vector<1x16xf32>
        tpu.vector_store %arg11[%parallel_loop3A_157, %parallel_loop3A_158], %parallel_loop3A_161 {strides = array<i32>} : memref<256x64xf32, #tpu.memory_space<vmem>>, vector<1x16xf32>,
        %parallel_loop3A_162 = arith.index_cast %parallel_loop3A_102 : i32 to index
        %parallel_loop3A_163 = arith.constant 48 : index
        %parallel_loop3A_164 = tpu.vector_load %arg9[%parallel_loop3A_162, %parallel_loop3A_163] {strides = array<i32>} : memref<256x64xf32, #tpu.memory_space<vmem>>, vector<1x16xf32>,
        %parallel_loop3A_165 = vector.shape_cast %parallel_loop3A_164 : vector<1x16xf32> to vector<16xf32>
        %parallel_loop3A_166 = arith.constant 48 : i32
        %parallel_loop3A_167 = arith.addi %parallel_loop3A_116, %parallel_loop3A_166 : i32
        %parallel_loop3A_168 = arith.index_cast %parallel_loop3A_167 : i32 to index
        %parallel_loop3A_169 = tpu.vector_load %arg7[%parallel_loop3A_168] {strides = array<i32>} : memref<12800xf32, #tpu.memory_space<vmem>>, vector<16xf32>,
        %parallel_loop3A_170 = vector.shape_cast %parallel_loop3A_169 : vector<16xf32> to vector<16xf32>
        %parallel_loop3A_171 = arith.addf %parallel_loop3A_165, %parallel_loop3A_170 : vector<16xf32>
        %parallel_loop3A_172 = arith.index_cast %parallel_loop3A_102 : i32 to index
        %parallel_loop3A_173 = arith.constant 48 : index
        %parallel_loop3A_174 = tpu.vector_load %arg11[%parallel_loop3A_172, %parallel_loop3A_173] {strides = array<i32>} : memref<256x64xf32, #tpu.memory_space<vmem>>, vector<1x16xf32>,
        %parallel_loop3A_175 = vector.shape_cast %parallel_loop3A_174 : vector<1x16xf32> to vector<16xf32>
        %parallel_loop3A_176 = vector.shape_cast %parallel_loop3A_171 : vector<16xf32> to vector<1x16xf32>
        tpu.vector_store %arg11[%parallel_loop3A_172, %parallel_loop3A_173], %parallel_loop3A_176 {strides = array<i32>} : memref<256x64xf32, #tpu.memory_space<vmem>>, vector<1x16xf32>,
      } {sc.loop_unroll_factor = 8 : i64, sc.parallel_access}
      %mul3A_95 = arith.constant 256 : i32
      %mul3A_96 = arith.muli %add3A_69, %mul3A_95 : i32
      %add3A_97 = arith.addi %mul3A_2, %mul3A_96 : i32
      %dma_start3A_98 = arith.constant 0 : i32
      %dma_start3A_99 = tpu.memref_slice %arg5[%add3A_97, %dma_start3A_98] : memref<819200x128xf32, #tpu.memory_space<hbm>> -> memref<256x64xf32, #tpu.memory_space<hbm>>
      %dma_start3A_100 = arith.constant 0 : i32
      %dma_start3A_101 = tpu.memref_slice %arg5[%add3A_97, %dma_start3A_100] : memref<819200x128xf32, #tpu.memory_space<hbm>> -> memref<256x64xf32, #tpu.memory_space<hbm>>
      tpu.enqueue_dma source(%arg11 : memref<256x64xf32, #tpu.memory_space<vmem>>) target(%dma_start3A_101 : memref<256x64xf32, #tpu.memory_space<hbm>>) target_semaphore(%arg15 : memref<!tpu.dma_semaphore, #tpu.memory_space<semaphore_mem>>)
    }
    %scan3A_23 = arith.constant 50 : i32
    %dma_wait3A = arith.constant 0 : i32
    %dma_wait3A_24 = arith.constant 0 : i32
    %dma_wait3A_25 = tpu.memref_slice %arg5[%dma_wait3A, %dma_wait3A_24] : memref<819200x128xf32, #tpu.memory_space<hbm>> -> memref<256x64xf32, #tpu.memory_space<hbm>>
    %dma_wait3A_26 = arith.constant 0 : i32
    %dma_wait3A_27 = arith.constant 0 : i32
    %dma_wait3A_28 = tpu.memref_slice %arg5[%dma_wait3A_26, %dma_wait3A_27] : memref<819200x128xf32, #tpu.memory_space<hbm>> -> memref<256x64xf32, #tpu.memory_space<hbm>>
    tpu.wait_dma2 semaphore(%arg14 : memref<!tpu.dma_semaphore, #tpu.memory_space<semaphore_mem>>) src(%arg10 : memref<256x64xf32, #tpu.memory_space<vmem>>) dst(%dma_wait3A_28 : memref<256x64xf32, #tpu.memory_space<hbm>>)
    %dma_wait3A_29 = arith.constant 0 : i32
    %dma_wait3A_30 = arith.constant 0 : i32
    %dma_wait3A_31 = tpu.memref_slice %arg5[%dma_wait3A_29, %dma_wait3A_30] : memref<819200x128xf32, #tpu.memory_space<hbm>> -> memref<256x64xf32, #tpu.memory_space<hbm>>
    %dma_wait3A_32 = arith.constant 0 : i32
    %dma_wait3A_33 = arith.constant 0 : i32
    %dma_wait3A_34 = tpu.memref_slice %arg5[%dma_wait3A_32, %dma_wait3A_33] : memref<819200x128xf32, #tpu.memory_space<hbm>> -> memref<256x64xf32, #tpu.memory_space<hbm>>
    tpu.wait_dma2 semaphore(%arg15 : memref<!tpu.dma_semaphore, #tpu.memory_space<semaphore_mem>>) src(%arg11 : memref<256x64xf32, #tpu.memory_space<vmem>>) dst(%dma_wait3A_34 : memref<256x64xf32, #tpu.memory_space<hbm>>)
    return
  }
}

</mosaic_0001>

<sc_bundles>
// kernel: kernel.3.cloned.1.call-start
scs
__scs_entry_jumppad:
0x0: {  	(pc) =	sbr.rel $0x88, $3  }
0x1: {  	(tag) =	ssettag $0x0;
	lr =	simm.s32 $0x1  }
0x2: {  	[smem:$0x3F9E] =	sst lr;
	_ =	strace $0xD0000000  }
0x3: {  	_ = 	snop  }
0x4: {  	_ = 	snop  }
0x5: {  	_ = 	snop  }
0x6: {  	_ = 	snop  }
0x7: {  	_ = 	snop  }
__scs_overlays_trampoline_lowered:
0x8: {  	[smem:$0x3FAD] =	sst s0  }
0x9: {  	[smem:$0x3FAE] =	sst s1  }
0xa: {  	[smem:$0x3FAF] =	sst s2  }
0xb: {  	[smem:$0x3FB0] =	sst s3  }
0xc: {  	[smem:$0x3FB1] =	sst s4  }
0xd: {  	[smem:$0x3FB2] =	sst s5  }
0xe: {  	[smem:$0x3FB3] =	sst s6  }
0xf: {  	[smem:$0x3FB4] =	sst s7  }
0x10: {  	[smem:$0x3FB5] =	sst s8  }
0x11: {  	[smem:$0x3FB6] =	sst s9;
	s0 =	simm.s32 @!p0 $0x0  }
0x12: {  	s1 =	sld [smem:$0x3F9C];
	s0 =	simm.s32 @p0 $0x1  }
0x13: {  	[smem:$0x3FB7] =	sst s0;
	s0 =	simm.s32 @!p1 $0x0  }
0x14: {  	s2 =	sld [smem:$0x3F9B];
	s0 =	simm.s32 @p1 $0x1  }
0x15: {  	[smem:$0x3FB8] =	sst s0;
	s0 =	simm.s32 @!p2 $0x0  }
0x16: {  	s3 =	sld [smem:$0x3FDB];
	s0 =	simm.s32 @p2 $0x1  }
0x17: {  	s4 =	simm.s32 $0x1BF5;
	[smem:$0x3FBA] =	sst s0  }
0x18: {  	s0 =	sld [smem:$0x3F9D];
	_ =	swait.ge [sflag:s4], $0x0  }
0x19: {  	s7 =	sld [smem:$0x3F9E]  }
0x1a: {  	s8 =	sadd.s32 $0xFFFFE003, lr  }
0x1b: {  	s9 =	sadd.s32 $0xFFFFFEF7, lr;
	s5 =	simm.s32 $0xFFFFFFFF;
	p2 =	slt.u32 s8, $0xFFFFF086  }
0x1c: {  	p1 =	slt.u32 s9, $0xF7A;
	s5 =	simm.s32 @!p2 $0x0  }
0x1d: {  	s5 =	simm.s32 @p1 $0x1;
	p0 =	seq.s32 s7, s2  }
0x1e: {  	s7 =	smul.u32 @!p0 $0xF7A, s2;
	p2 =	seq.s32 @!p0 s5, $0x0  }
0x1f: {  	s9 =	smul.u32 $0xF7A, s1;
	s8 =	simm.s32 @!p0 $0x1BF5;
	p2 =	por !p2, p0  }
0x20: {  	[sflag:s8] =	ssyncset.s32 @!p0 $0xFFFFF086;
	s6 =	sadd.s32 @!p0 s3, s7;
	s7 =	simm.s32 @!p0 $0x108  }
0x21: {  	s3 =	sadd.s32 s3, s9;
	s6 =	sadd.s32 @!p0 $0x88, s6;
	s7 =	simm.s32 @p2 $0x1082  }
0x22: {  	[simem:s7], [sflag:s8] =	dma.local @!p0 [hbm:s6], $0xF7A  }
0x23: {  	s9 =	sor.u32 $0xD0000000, s2;
	s6 =	simm.s32 $0x108;
	_ =	swait.ge @!p0 [sflag:s8], $0x0  }
0x24: {  	s3 =	sadd.s32 $0x88, s3;
	s6 =	simm.s32 @!p1 $0x1082;
	[sflag:s4] =	ssyncset.s32 $0xFFFFF086  }
0x25: {  	[simem:s6], [sflag:s4] =	dma.local [hbm:s3], $0xF7A  }
0x26: {  	[smem:$0x3F9E] =	sst s1;
	(tag) =	ssettag s2;
	_ =	strace s9  }
0x27: {  	s1 =	sld [smem:$0x3FAE]  }
0x28: {  	s2 =	sld [smem:$0x3FAF]  }
0x29: {  	s4 =	sld [smem:$0x3FB1]  }
0x2a: {  	p0 =	seq.s32 s5, $0x0;
	s5 =	sld [smem:$0x3FB2]  }
0x2b: {  	s6 =	sld [smem:$0x3FB3]  }
0x2c: {  	s7 =	sld [smem:$0x3FB4]  }
0x2d: {  	s3 =	simm.s32 $0x108;
	s8 =	sld [smem:$0x3FB5]  }
0x2e: {  	s3 =	simm.s32 @!p0 $0x1082;
	s9 =	sld [smem:$0x3FB6]  }
0x2f: {  	lr =	sadd.s32 s0, s3;
	s0 =	sld [smem:$0x3FAD]  }
0x30: {  	s3 =	sld [smem:$0x3FB0]  }
0x31: {  	[smem:$0x3FB9] =	sst s10  }
0x32: {  	s10 =	sld [smem:$0x3FB7];
	_ =	sdelay $0x3  }
0x33: {  	p0 =	seq.s32 s10, $0x1;
	s10 =	sld [smem:$0x3FB9];
	_ =	sdelay $0x3  }
0x34: {  	[smem:$0x3FB9] =	sst s10  }
0x35: {  	s10 =	sld [smem:$0x3FB8];
	_ =	sdelay $0x3  }
0x36: {  	p1 =	seq.s32 s10, $0x1;
	s10 =	sld [smem:$0x3FB9];
	_ =	sdelay $0x3  }
0x37: {  	[smem:$0x3FB9] =	sst s10  }
0x38: {  	s10 =	sld [smem:$0x3FBA]  }
0x39: {  	_ = 	snop;
	(pc) =	sbr.ind lr, $3  }
0x3a: {  	_ = 	snop  }
0x3b: {  	_ = 	snop  }
0x3c: {  	p2 =	seq.s32 s10, $0x1;
	s10 =	sld [smem:$0x3FB9]  }
0x3d: {  	_ =	shalt  }
0x3e: {  	_ =	shalt  }
0x3f: {  	_ =	shalt  }
0x40: {  	_ =	shalt  }
0x41: {  	_ =	shalt  }
0x42: {  	_ =	shalt  }
0x43: {  	_ =	shalt  }
0x44: {  	_ =	shalt  }
0x45: {  	_ =	shalt  }
0x46: {  	_ =	shalt  }
0x47: {  	_ =	shalt  }
0x48: {  	_ =	shalt  }
0x49: {  	_ =	shalt  }
0x4a: {  	_ =	shalt  }
0x4b: {  	_ =	shalt  }
0x4c: {  	_ =	shalt  }
0x4d: {  	_ =	shalt  }
0x4e: {  	_ =	shalt  }
0x4f: {  	_ =	shalt  }
0x50: {  	_ =	shalt  }
0x51: {  	_ =	shalt  }
0x52: {  	_ =	shalt  }
0x53: {  	_ =	shalt  }
0x54: {  	_ =	shalt  }
0x55: {  	_ =	shalt  }
0x56: {  	_ =	shalt  }
0x57: {  	_ =	shalt  }
0x58: {  	_ =	shalt  }
0x59: {  	_ =	shalt  }
0x5a: {  	_ =	shalt  }
0x5b: {  	_ =	shalt  }
0x5c: {  	_ =	shalt  }
0x5d: {  	_ =	shalt  }
0x5e: {  	_ =	shalt  }
0x5f: {  	_ =	shalt  }
0x60: {  	_ =	shalt  }
0x61: {  	_ =	shalt  }
0x62: {  	_ =	shalt  }
0x63: {  	_ =	shalt  }
0x64: {  	_ =	shalt  }
0x65: {  	_ =	shalt  }
0x66: {  	_ =	shalt  }
0x67: {  	_ =	shalt  }
0x68: {  	_ =	shalt  }
0x69: {  	_ =	shalt  }
0x6a: {  	_ =	shalt  }
0x6b: {  	_ =	shalt  }
0x6c: {  	_ =	shalt  }
0x6d: {  	_ =	shalt  }
0x6e: {  	_ =	shalt  }
0x6f: {  	_ =	shalt  }
0x70: {  	_ =	shalt  }
0x71: {  	_ =	shalt  }
0x72: {  	_ =	shalt  }
0x73: {  	_ =	shalt  }
0x74: {  	_ =	shalt  }
0x75: {  	_ =	shalt  }
0x76: {  	_ =	shalt  }
0x77: {  	_ =	shalt  }
0x78: {  	_ =	shalt  }
0x79: {  	_ =	shalt  }
0x7a: {  	_ =	shalt  }
0x7b: {  	_ =	shalt  }
0x7c: {  	_ =	shalt  }
0x7d: {  	_ =	shalt  }
0x7e: {  	_ =	shalt  }
0x7f: {  	_ =	shalt  }
0x80: {  	_ =	shalt  }
0x81: {  	_ =	shalt  }
0x82: {  	_ =	shalt  }
0x83: {  	_ =	shalt  }
0x84: {  	_ =	shalt  }
0x85: {  	_ =	shalt  }
0x86: {  	_ =	shalt  }
0x87: {  	_ =	shalt  }
.Lfunc_end0:
.L_simem_size_0:
called_computation.1_lowered:
.L_overlay_start_0:
0x88: {  	s2 =	sld [smem:$0x3FD9]  }
0x89: {  	s3 =	sld [smem:$0x3FFE];
	_ =	sdelay $0x1  }
0x8a: {  	s1 =	srdreg.scid  }
0x8b: {  	s0 =	sand.u32 $0x1, s1  }
0x8c: {  	s17 =	sshll.u32 s0, $0xA;
	s2 =	sadd.s32 s3, s2  }
0x8d: {  	s2 =	sadd.s32 s2, s17  }
0x8e: {  	[smem:$0x3FC5] =	sst s2  }
0x8f: {  	_ = 	snop  }
0x90: {  	s2 =	sld [smem:$0x3FD0];
	(tm) =	ssettm $0x1  }
0x91: {  	s18 =	sld [smem:$0x3FFB];
	_ =	sdelay $0x3  }
0x92: {  	_ =	strace s18  }
0x93: {  	s3 =	sld [smem:$0x3FFC];
	_ =	sdelay $0x3  }
0x94: {  	_ =	strace s3  }
0x95: {  	s3 =	sld [smem:$0x3FFD];
	_ =	sdelay $0x3  }
0x96: {  	_ =	strace s3  }
0x97: {  	_ =	strace $0x8FFFFFFF  }
0x98: {  	s19 =	sld [smem:$0x3FDB];
	_ =	sdelay $0x1  }
0x99: {  	s4 =	simm.s32 $_scs_section_size  }
0x9a: {  	s5 =	simm.s32 $_size__tile_overlayer_lowered;
	s6 =	simm.s32 $_tile_overlayer_lowered  }
0x9b: {  	s22 =	simm.s32 $0x1BFF;
	s21 =	sshll.u32 s6, $0x1;
	s3 =	sadd.s32 s4, s19  }
0x9c: {  	s7 =	simm.s32 $0x0;
	s20 =	sshll.u32 s5, $0x1;
	s5 =	sadd.s32 s21, s3  }
0x9d: {  	[timem:s7], [sflag:s22] =	dma.local [hbm:s5], s20  }
0x9e: {  	_ =	swait.ge [sflag:s22], s20  }
0x9f: {  	s4 =	ssub.s32 $0x0, s20;
	[sflag:s22] =	ssyncset.done $0x0  }
0xa0: {  	[sflag:s22] =	ssyncadd.s32 s4;
	_ =	sdelay $0x1  }
0xa1: {  	s23 =	simm.s32 $0x1B8B  }
0xa2: {  	_ =	swait.ge [sflag:s23], $0x1  }
0xa3: {  	[sflag:s23] =	ssyncset.done $0x0  }
0xa4: {  	s25 =	simm.s32 $0x1B8E;
	s24 =	sld [smem:$0x3FFE];
	[sflag:s23] =	ssyncadd.s32 $0xFFFFFFFF  }
0xa5: {  	s26 =	simm.s32 $execute0_lowered;
	[smem:$0x3FD2] =	sst s25  }
0xa6: {  	s5 =	sshll.u32 s26, $0x1;
	_ =	strace $0x80000046;
	[dreg:$0x1] =	wrdreg $0xFFFFFFFF  }
0xa7: {  	s28 =	simm.s32 $_size_execute0_lowered;
	s3 =	sadd.s32 s3, s5;
	[dreg:$0x0] =	wrdreg $0x0  }
0xa8: {  	s5 =	sshll.u32 s28, $0x1;
	[dreg:$0x2] =	wrdreg s3  }
0xa9: {  	[dreg:$0x3] =	wrdreg s5  }
0xaa: {  	[dreg:$0x4] =	wrdreg $0xC0  }
0xab: {  	_ =	task [dreg:s7], $0x5FFFF  }
0xac: {  	[dreg:$0x1] =	wrdreg $0xFFFFFFFF  }
0xad: {  	[dreg:$0x0] =	wrdreg $0x60  }
0xae: {  	[dreg:$0x2] =	wrdreg s2  }
0xaf: {  	[dreg:$0x3] =	wrdreg s24  }
0xb0: {  	[dreg:$0x4] =	wrdreg $0x9  }
0xb1: {  	_ =	task.clear_ibuf [dreg:s7], $0x5FFFF;
	_ =	strace $0x90000046  }
0xb2: {  	s29 =	simm.s32 $0x9;
	_ =	strace $0x80000048  }
0xb3: {  	_ =	swait.ge [sflag:s29], $0x1  }
0xb4: {  	[sflag:s29] =	ssyncadd.s32 $0xFFFFFFFF  }
0xb5: {  	_ =	strace $0x90000048  }
0xb6: {  	_ =	sfence  }
0xb7: {  	s30 =	sld [smem:$0x0];
	_ =	sdelay $0x2  }
0xb8: {  	s31 =	sshll.u32 s1, $0xD;
	s1 =	sshrl.u32 s1, $0x2  }
0xb9: {  	s3 =	sand.u32 $0x4000, s31;
	s1 =	sadd.s32 s1, s30  }
0xba: {  	s0 =	sor.u32 s3, s0;
	s1 =	sshll.u32 s1, $0x11  }
0xbb: {  	s0 =	sor.u32 s1, s0  }
0xbc: {  	s0 =	sadd.s32 $0x8F2B, s0  }
0xbd: {  	[sflag:s0] =	ssyncadd.remote.s32 $0x1  }
0xbe: {  	_ =	sfence.sel $0xFFFF  }
0xbf: {  	[dreg:$0x0] =	wrdreg $0xFFFFFFFF;
	(pc) =	sbr.abs _section_cstart, $3  }
0xc0: {  	[dreg:$0x1] =	wrdreg $0xFFFFFFFF  }
0xc1: {  	_ =	task.clear_ibuf [dreg:s7], $0x2FFFF;
	_ =	strace $0x9FFFFFFF  }
0xc2: {  	(tm) =	ssettm $0x7FFFFFFF  }
0xc3: {  	_ =	shalt  }
tec
execute0_lowered:
.L_overlay_start_1:
0x0: {  	(tag) =	ssettag $0x1  }
0x1: {  	s0 =	rddreg [dreg:$0x0]  }
0x2: {  	s1 =	srdreg.scid;
	s3 =	stileid.u32  }
0x3: {  	s2 =	rddreg [dreg:$0x1];
	s4 =	simm.s32 $0x0;
	s1 =	sand.u32 $0x1, s1  }
0x4: {  	s3 =	sshll.u32 s3, $0x1;
	[smem:$0x7FF] =	sst s4;
	s26 =	sadd.s32 $0xF43200, s2  }
0x5: {  	s29 =	sadd.s32 $0xE00, s2;
	s2 =	sadd.s32 $0x1600, s2;
	s3 =	sor.u32 s1, s3  }
0x6: {  	s1 =	ssub.s32 $0x2, s1;
	_ =	strace $0x80000047;
	[dreg:$0x6] =	wrdreg s26  }
0x7: {  	[dreg:$0x7] =	wrdreg s29;
	s28 =	smul.u32 $0x6400, s3;
	s5 =	sshrl.u32 s1, $0x1  }
0x8: {  	[dreg:$0x8] =	wrdreg s2;
	s1 =	ssub.s32 s1, s5  }
0x9: {  	s30 =	sshrl.u32 s28, $0x3;
	s31 =	smax.u32 s1, $0x1;
	[dreg:$0x5] =	wrdreg s28  }
0xa: {  	s0 =	sadd.s32 s0, s30;
	[dreg:$0xa] =	wrdreg s31  }
0xb: {  	s4 =	simm.s32 $0x80;
	s2 =	simm.s32 $0x0;
	[dreg:$0x9] =	wrdreg s0  }
.LBB2_1:
0xc: {  	[dreg:$0xb] =	wrdreg s2  }
0xd: {  	s0 =	simm.s32 $0x0;
	s1 =	rddreg [dreg:$0x9];
	s26 =	simm.s32 $0x5  }
0xe: {  	[tilespmem:s0], [sflag:$0x5] =	stream.linear.gather [hbm4b:s1+s0], $0x6400, $0x38;
	[tilespmem:$0x19600] =	vst v63  }
0xf: {  	_ =	swait.ge [sflag:s26], $0x6400  }
0x10: {  	[sflag:s26] =	ssyncset.done $0x0  }
0x11: {  	s3 =	simm.s32 $0x6400;
	s28 =	rddreg [dreg:$0x7];
	[sflag:s26] =	ssyncadd.s32 $0xFFFF9C00  }
0x12: {  	[tilespmem:s3], [sflag:$0x5] =	stream.linear.gather [hbm4b:s28+s0], $0x3200, $0x38;
	[tilespmem:$0x19600] =	vst v63  }
0x13: {  	_ =	swait.ge [sflag:s26], $0x3200  }
0x14: {  	s30 =	simm.s32 $0x9600;
	[sflag:s26] =	ssyncset.done $0x0  }
0x15: {  	s31 =	simm.s32 $0xB600;
	s29 =	rddreg [dreg:$0x6];
	[sflag:s26] =	ssyncadd.s32 $0xFFFFCE00  }
0x16: {  	[tilespmem:s30], [sflag:$0x1] =	stream.indirect.gather [hbm4b:s29+s4], $0x40, s0, s4, $0xb8;
	[tilespmem:$0x19600] =	vst v63  }
0x17: {  	s2 =	simm.s32 $0x0;
	s26 =	simm.s32 $0x0;
	s0 =	simm.s32 $0x100  }
0x18: {  	[tilespmem:s31], [sflag:$0x1] =	stream.indirect.gather [hbm4b:s29+s4], $0x40, s4, s4, $0xb8;
	[tilespmem:$0x19600] =	vst v63  }
.LBB2_2:
0x19: {  	[dreg:$0xc] =	wrdreg s0;
	s19 =	smulhi.u32 $0x51EB851F, s0  }
0x1a: {  	s1 =	smulhi.u32 $0x51EB851F, s2;
	s29 =	sshll.u32 s26, $0x9;
	s21 =	rddreg [dreg:$0x6]  }
0x1b: {  	s22 =	simm.s32 $0xD600;
	s3 =	sor.u32 $0x100, s29;
	s0 =	sshrl.u32 s19, $0x6  }
0x1c: {  	[tilespmem:s22], [sflag:$0x2] =	stream.indirect.gather [hbm4b:s21+s4], $0x40, s3, s4, $0xb8;
	[tilespmem:$0x19600] =	vst v63  }
0x1d: {  	[dreg:$0xd] =	wrdreg s2;
	s1 =	sshrl.u32 s1, $0x6;
	s0 =	smul.u32 $0xC8, s0  }
0x1e: {  	s24 =	simm.s32 $0xF600;
	s23 =	sor.u32 $0x180, s29;
	s1 =	smul.u32 $0xC8, s1  }
0x1f: {  	[tilespmem:s24], [sflag:$0x2] =	stream.indirect.gather [hbm4b:s21+s4], $0x40, s23, s4, $0xb8;
	[tilespmem:$0x19600] =	vst v63  }
0x20: {  	[dreg:$0xe] =	wrdreg s3;
	s0 =	ssub.s32 s2, s0  }
0x21: {  	s20 =	ssub.s32 s2, s1;
	[dreg:$0x4] =	wrdreg s0  }
0x22: {  	s25 =	simm.s32 $0x1;
	[dreg:$0x3] =	wrdreg s20  }
0x23: {  	_ =	swait.ge [sflag:s25], $0x4000  }
0x24: {  	p1 =	seq.s32 s26, $0x0;
	[sflag:s25] =	ssyncset.done $0x0  }
0x25: {  	s0 =	simm.s32 @!p1 $0x3;
	[sflag:s25] =	ssyncadd.s32 $0xFFFFC000  }
0x26: {  	_ =	swait.ge @!p1 [sflag:s0], $0x4000  }
0x27: {  	s28 =	rddreg [dreg:$0x3];
	[sflag:s0] =	ssyncset.done @!p1 $0x0  }
0x28: {  	s31 =	simm.s32 $0x9700;
	s1 =	sadd.s32 $0xFFFFFFF8, s28;
	[sflag:s0] =	ssyncadd.s32 @!p1 $0xFFFFC000  }
0x29: {  	s5 =	sadd.s32 $0xF, s1;
	s2 =	sadd.s32 $0xFFFFFF47, s1;
	s10 =	sadd.s32 $0xA, s1  }
0x2a: {  	s12 =	sadd.s32 $0xB, s1;
	s13 =	sadd.s32 $0xC, s1;
	p0 =	sgt.u32 s5, $0xC7  }
0x2b: {  	s9 =	sadd.s32 $0xD, s1;
	s5 =	smov.u32 @p0 s2;
	s2 =	simm.s32 @!p1 $0x0  }
0x2c: {  	s7 =	sadd.s32 $0xFFFFFF40, s1;
	s8 =	sadd.s32 $0xFFFFFF41, s1;
	s2 =	simm.s32 @p1 $0x1  }
0x2d: {  	s14 =	sadd.s32 $0xE, s1;
	[smem:$0x7FD] =	sst s2;
	s2 =	sshll.u32 s5, $0x6  }
0x2e: {  	p0 =	sgt.s32 s5, $0xC7;
	s5 =	sadd.s32 $0x9, s1;
	s0 =	sadd.s32 $0xFFFFCE00, s2  }
0x2f: {  	p1 =	sgt.u32 s5, $0xC7;
	s2 =	smov.u32 @p0 s0;
	s0 =	sadd.s32 $0x8, s1  }
0x30: {  	v0 =	vld [tilespmem:s31+$0xC0];
	s5 =	smov.u32 @p1 s8;
	p1 =	sgt.u32 s12, $0xC7;
	p0 =	sgt.u32 s0, $0xC7  }
0x31: {  	v1 =	vld [tilespmem:s2+$0x6400];
	s0 =	smov.u32 @p0 s7;
	p0 =	sgt.u32 s10, $0xC7;
	s7 =	sadd.s32 $0xFFFFFF42, s1  }
0x32: {  	s10 =	smov.u32 @p0 s7;
	p0 =	sgt.u32 s13, $0xC7;
	s7 =	sadd.s32 $0xFFFFFF44, s1  }
0x33: {  	v2 =	vld [tilespmem:s31+$0xFFFFFF40];
	s8 =	sadd.s32 $0xFFFFFF43, s1;
	s13 =	smov.u32 @p0 s7;
	s7 =	sshll.u32 s0, $0x6  }
0x34: {  	v4 =	vld [tilespmem:s31+$0xFFFFFF80];
	s12 =	smov.u32 @p1 s8;
	p0 =	sgt.s32 s0, $0xC7;
	s0 =	sadd.s32 $0xFFFFCE00, s7  }
0x35: {  	v5 =	vld [tilespmem:s31+$0xFFFFFFC0];
	s8 =	sadd.s32 $0xFFFFFF45, s1;
	s22 =	sshll.u32 s5, $0x6;
	s7 =	smov.u32 @p0 s0  }
0x36: {  	v6 =	vld [tilespmem:s31+$0x0];
	v0 =	vadd.f32 v1, v0;
	s0 =	sadd.s32 $0xFFFFFF46, s1;
	p0 =	sgt.s32 s5, $0xC7;
	s1 =	sadd.s32 $0xFFFFCE00, s22  }
0x37: {  	s30 =	simm.s32 $0x11700;
	v7 =	vld [tilespmem:s31+$0x40];
	p1 =	sgt.u32 s9, $0xC7;
	s22 =	smov.u32 @p0 s1  }
0x38: {  	s9 =	smov.u32 @p1 s8;
	p1 =	sgt.u32 s14, $0xC7;
	s8 =	sshll.u32 s10, $0x6;
	[tilespmem:s30+$0xC0] =	vst v0;
	v9 =	vld [tilespmem:s22+$0x6400]  }
0x39: {  	s5 =	sshll.u32 s12, $0x6;
	s14 =	smov.u32 @p1 s0;
	p0 =	sgt.s32 s10, $0xC7;
	v0 =	vld [tilespmem:s31+$0xD0]  }
0x3a: {  	s0 =	sadd.s32 $0xFFFFCE00, s8;
	p1 =	sgt.s32 s12, $0xC7;
	s10 =	sshll.u32 s13, $0x6;
	v3 =	vld [tilespmem:s2+$0x6410]  }
0x3b: {  	v8 =	vld [tilespmem:s31+$0x80];
	s8 =	smov.u32 @p0 s0;
	s0 =	sadd.s32 $0xFFFFCE00, s5;
	p0 =	sgt.s32 s13, $0xC7  }
0x3c: {  	v1 =	vld [tilespmem:s31+$0xFFFFFF00];
	s1 =	sadd.s32 $0xFFFFCE00, s10;
	s5 =	smov.u32 @p1 s0;
	s0 =	sshll.u32 s9, $0x6  }
0x3d: {  	s10 =	smov.u32 @p0 s1;
	v11 =	vld [tilespmem:s8+$0x6400];
	p0 =	sgt.s32 s9, $0xC7;
	s9 =	sadd.s32 $0xFFFFCE00, s0  }
0x3e: {  	v12 =	vld [tilespmem:s5+$0x6400];
	s0 =	smov.u32 @p0 s9;
	v2 =	vadd.f32 v9, v2  }
0x3f: {  	v13 =	vld [tilespmem:s0+$0x6400];
	v0 =	vadd.f32 v3, v0  }
0x40: {  	v3 =	vld [tilespmem:s7+$0x6400];
	[tilespmem:s30+$0xFFFFFF40] =	vst v2  }
0x41: {  	[tilespmem:s30+$0xD0] =	vst v0;
	v56 =	vld [tilespmem:s31+$0xFFFFFF50]  }
0x42: {  	v2 =	vadd.f32 v11, v4;
	v0 =	vld [tilespmem:s31+$0xE0]  }
0x43: {  	v10 =	vld [tilespmem:s2+$0x6420]  }
0x44: {  	[tilespmem:s30+$0xFFFFFF80] =	vst v2;
	v2 =	vld [tilespmem:s22+$0x6410]  }
0x45: {  	s11 =	sshll.u32 s14, $0x6;
	v5 =	vadd.f32 v12, v5;
	v57 =	vld [tilespmem:s31+$0xFFFFFF90]  }
0x46: {  	s9 =	sadd.s32 $0xFFFFCE00, s11;
	p0 =	sgt.s32 s14, $0xC7;
	v1 =	vadd.f32 v3, v1;
	v3 =	vld [tilespmem:s10+$0x6400]  }
0x47: {  	s11 =	smov.u32 @p0 s9;
	[tilespmem:s30+$0xFFFFFFC0] =	vst v5;
	v5 =	vld [tilespmem:s8+$0x6410]  }
0x48: {  	[tilespmem:s30+$0xFFFFFF00] =	vst v1;
	v1 =	vld [tilespmem:s11+$0x6400]  }
0x49: {  	v0 =	vadd.f32 v10, v0;
	v54 =	vld [tilespmem:s31+$0xFFFFFF10]  }
0x4a: {  	v55 =	vld [tilespmem:s7+$0x6410]  }
0x4b: {  	v2 =	vadd.f32 v2, v56;
	[tilespmem:s30+$0xE0] =	vst v0;
	v3 =	vadd.f32 v3, v6;
	v6 =	vld [tilespmem:s31+$0xFFFFFFD0]  }
0x4c: {  	v7 =	vadd.f32 v13, v7;
	v0 =	vld [tilespmem:s31+$0xF0]  }
0x4d: {  	[tilespmem:s30+$0xFFFFFF50] =	vst v2;
	v4 =	vld [tilespmem:s2+$0x6430]  }
0x4e: {  	[tilespmem:s30+$0x40] =	vst v7;
	v62 =	vld [tilespmem:s31+$0xFFFFFF60]  }
0x4f: {  	[tilespmem:s30+$0x0] =	vst v3;
	v3 =	vld [tilespmem:s5+$0x6410]  }
0x50: {  	v1 =	vadd.f32 v1, v8;
	v8 =	vld [tilespmem:s31+$0x50]  }
0x51: {  	v58 =	vld [tilespmem:s31+$0x10]  }
0x52: {  	v7 =	vld [tilespmem:s10+$0x6410]  }
0x53: {  	v9 =	vadd.f32 v55, v54;
	[tilespmem:s30+$0x80] =	vst v1;
	v1 =	vld [tilespmem:s0+$0x6410]  }
0x54: {  	v59 =	vld [tilespmem:s31+$0x90]  }
0x55: {  	[tilespmem:s30+$0xFFFFFF10] =	vst v9;
	v60 =	vld [tilespmem:s11+$0x6410]  }
0x56: {  	v2 =	vadd.f32 v5, v57;
	v61 =	vld [tilespmem:s31+$0xFFFFFF20]  }
0x57: {  	v5 =	vld [tilespmem:s7+$0x6420]  }
0x58: {  	[tilespmem:s30+$0xFFFFFF90] =	vst v2;
	v2 =	vadd.f32 v3, v6;
	v3 =	vld [tilespmem:s22+$0x6420]  }
0x59: {  	v6 =	vld [tilespmem:s31+$0xFFFFFFA0]  }
0x5a: {  	[tilespmem:s30+$0xFFFFFFD0] =	vst v2;
	v2 =	vadd.f32 v7, v58;
	v7 =	vld [tilespmem:s8+$0x6420]  }
0x5b: {  	v0 =	vadd.f32 v4, v0;
	v63 =	vld [tilespmem:s31+$0xFFFFFFE0]  }
0x5c: {  	[tilespmem:s30+$0x10] =	vst v2;
	v2 =	vadd.f32 v1, v8;
	v8 =	vld [tilespmem:s5+$0x6420]  }
0x5d: {  	[tilespmem:s30+$0xF0] =	vst v0;
	v0 =	vadd.f32 v60, v59;
	v1 =	vld [tilespmem:s31+$0x20]  }
0x5e: {  	v5 =	vadd.f32 v5, v61;
	v4 =	vld [tilespmem:s10+$0x6420];
	[tilespmem:s30+$0x50] =	vst v2  }
0x5f: {  	[tilespmem:s30+$0x90] =	vst v0;
	v0 =	vadd.f32 v3, v62;
	v2 =	vld [tilespmem:s31+$0x60]  }
0x60: {  	[tilespmem:s30+$0xFFFFFF20] =	vst v5;
	v3 =	vadd.f32 v7, v6;
	v5 =	vld [tilespmem:s0+$0x6420]  }
0x61: {  	[tilespmem:s30+$0xFFFFFF60] =	vst v0;
	v0 =	vld [tilespmem:s31+$0xA0]  }
0x62: {  	s23 =	simm.s32 $0x0;
	s9 =	simm.s32 $0x9700;
	s2 =	simm.s32 $0x11700;
	[tilespmem:s30+$0xFFFFFFA0] =	vst v3;
	v6 =	vadd.f32 v8, v63;
	v3 =	vld [tilespmem:s11+$0x6420]  }
.LBB2_3:
0x63: {  	_ = 	snop  }
0x64: {  	v7 =	vld [tilespmem:s31+$0xFFFFFF30]  }
0x65: {  	[tilespmem:s30+$0xFFFFFFE0] =	vst v6;
	v6 =	vld [tilespmem:s31+$0xFFFFFF70];
	v1 =	vadd.f32 v4, v1  }
0x66: {  	s12 =	rddreg [dreg:$0x3];
	v4 =	vld [tilespmem:s7+$0x6430]  }
0x67: {  	s25 =	sadd.s32 s23, s12;
	s23 =	sadd.s32 $0x8, s23;
	v0 =	vadd.f32 v3, v0;
	[tilespmem:s30+$0x20] =	vst v1;
	v1 =	vadd.f32 v5, v2;
	v2 =	vld [tilespmem:s22+$0x6430]  }
0x68: {  	p0 =	slt.u32 s23, $0xF8;
	v5 =	vld [tilespmem:s31+$0xFFFFFFB0]  }
0x69: {  	s20 =	sadd.s32 $0xF, s25;
	s1 =	simm.s32 @!p0 $0x0;
	[tilespmem:s30+$0xA0] =	vst v0;
	v0 =	vld [tilespmem:s5+$0x6430]  }
0x6a: {  	s12 =	sadd.s32 $0xFFFFFF47, s25;
	s1 =	simm.s32 @p0 $0x1;
	p0 =	sgt.u32 s20, $0xC7;
	v10 =	vld [tilespmem:s10+$0x6430]  }
0x6b: {  	s20 =	smov.u32 @p0 s12;
	v13 =	vld [tilespmem:s9+$0xB0]  }
0x6c: {  	s12 =	sshll.u32 s20, $0x6;
	v57 =	vld [tilespmem:s11+$0x6430]  }
0x6d: {  	p0 =	sgt.s32 s20, $0xC7;
	s5 =	sadd.s32 $0xFFFFCE00, s12;
	[tilespmem:s30+$0x60] =	vst v1;
	v1 =	vld [tilespmem:s8+$0x6430]  }
0x6e: {  	s12 =	smov.u32 @p0 s5;
	v3 =	vadd.f32 v4, v7;
	v4 =	vld [tilespmem:s31+$0xFFFFFFF0]  }
0x6f: {  	s13 =	sadd.s32 $0x8, s25;
	s14 =	sadd.s32 $0x9, s25;
	v7 =	vld [tilespmem:s12+$0x6400]  }
0x70: {  	s15 =	sadd.s32 $0xA, s25;
	s18 =	sadd.s32 $0xB, s25;
	s31 =	sadd.s32 $0x200, s31;
	v11 =	vld [tilespmem:s9+$0x70]  }
0x71: {  	s21 =	sadd.s32 $0xC, s25;
	p5 =	sgt.u32 s13, $0xC7;
	s5 =	sadd.s32 $0xFFFFFF40, s25;
	v2 =	vadd.f32 v2, v6;
	v6 =	vld [tilespmem:s31+$0xC0]  }
0x72: {  	s17 =	sadd.s32 $0xD, s25;
	s16 =	sadd.s32 $0xFFFFFF43, s25;
	s13 =	smov.u32 @p5 s5;
	v12 =	vld [tilespmem:s0+$0x6430]  }
0x73: {  	s19 =	sadd.s32 $0xFFFFFF44, s25;
	p6 =	sgt.u32 s21, $0xC7;
	s7 =	sshll.u32 s13, $0x6;
	v8 =	vld [tilespmem:s31+$0x80]  }
0x74: {  	s21 =	smov.u32 @p6 s19;
	p5 =	sgt.s32 s13, $0xC7;
	[tilespmem:s30+$0xFFFFFF30] =	vst v3;
	v3 =	vld [tilespmem:s9+$0x30];
	s19 =	sadd.s32 $0xFFFFCE00, s7;
	v1 =	vadd.f32 v1, v5  }
0x75: {  	s3 =	sadd.s32 $0xFFFFFF45, s25;
	p3 =	sgt.u32 s15, $0xC7;
	s7 =	smov.u32 @p5 s19;
	[tilespmem:s30+$0xFFFFFF70] =	vst v2;
	v2 =	vld [tilespmem:s31+$0xFFFFFF00];
	v0 =	vadd.f32 v0, v4  }
0x76: {  	p4 =	sgt.u32 s18, $0xC7;
	p0 =	sgt.u32 s14, $0xC7;
	s8 =	sadd.s32 $0xFFFFFF41, s25;
	v14 =	vld [tilespmem:s7+$0x6400];
	[tilespmem:s30+$0xFFFFFFB0] =	vst v1;
	v6 =	vadd.f32 v7, v6  }
0x77: {  	s22 =	sadd.s32 $0xFFFFFF42, s25;
	s14 =	smov.u32 @p0 s8;
	v4 =	vld [tilespmem:s31+$0xFFFFFFC0];
	[tilespmem:s30+$0xFFFFFFF0] =	vst v0;
	s30 =	sadd.s32 $0x200, s30  }
0x78: {  	p1 =	sgt.u32 s17, $0xC7;
	s15 =	smov.u32 @p3 s22;
	s22 =	sshll.u32 s14, $0x6;
	v5 =	vld [tilespmem:s31+$0xFFFFFF40];
	[tilespmem:s30+$0xC0] =	vst v6  }
0x79: {  	s18 =	smov.u32 @p4 s16;
	p6 =	sgt.s32 s14, $0xC7;
	s6 =	sadd.s32 $0xFFFFCE00, s22;
	v6 =	vld [tilespmem:s31+$0xD0]  }
0x7a: {  	s17 =	smov.u32 @p1 s3;
	s20 =	sadd.s32 $0xE, s25;
	s22 =	smov.u32 @p6 s6;
	v9 =	vld [tilespmem:s12+$0x6410]  }
0x7b: {  	s3 =	sshll.u32 s21, $0x6;
	p4 =	sgt.s32 s18, $0xC7;
	p2 =	sgt.u32 s20, $0xC7;
	v58 =	vld [tilespmem:s22+$0x6400]  }
0x7c: {  	p3 =	sgt.s32 s15, $0xC7;
	s5 =	sadd.s32 $0xFFFFFF46, s25;
	s8 =	sshll.u32 s15, $0x6;
	v1 =	vld [tilespmem:s31+$0xFFFFFF80];
	v3 =	vadd.f32 v10, v3  }
0x7d: {  	s20 =	smov.u32 @p2 s5;
	s5 =	sshll.u32 s18, $0x6;
	s4 =	sadd.s32 $0xFFFFCE00, s8;
	v0 =	vld [tilespmem:s31+$0x0]  }
0x7e: {  	s24 =	sadd.s32 $0xFFFFCE00, s3;
	s28 =	sadd.s32 $0xFFFFCE00, s5;
	s8 =	smov.u32 @p3 s4;
	v7 =	vld [tilespmem:s31+$0x40];
	[tilespmem:s2+$0x30] =	vst v3;
	v3 =	vadd.f32 v12, v11  }
0x7f: {  	s10 =	smov.u32 s3;
	p2 =	sgt.s32 s21, $0xC7;
	s5 =	smov.u32 @p4 s28;
	v60 =	vld [tilespmem:s8+$0x6400];
	v6 =	vadd.f32 v9, v6  }
0x80: {  	[smem:$0x7FC] =	sst s1;
	s10 =	smov.u32 @p2 s24;
	v61 =	vld [tilespmem:s5+$0x6400];
	[tilespmem:s2+$0x70] =	vst v3  }
0x81: {  	s16 =	sshll.u32 s17, $0x6;
	p1 =	sgt.s32 s17, $0xC7;
	s1 =	sshll.u32 s20, $0x6;
	v62 =	vld [tilespmem:s10+$0x6400];
	v3 =	vadd.f32 v57, v13;
	[tilespmem:s30+$0xD0] =	vst v6  }
0x82: {  	p0 =	sgt.s32 s20, $0xC7;
	s25 =	sadd.s32 $0xFFFFCE00, s1;
	s11 =	smov.u32 s1;
	v6 =	vld [tilespmem:s31+$0xE0]  }
0x83: {  	s0 =	smov.u32 s16;
	s13 =	sadd.s32 $0xFFFFCE00, s16;
	s11 =	smov.u32 @p0 s25;
	v2 =	vadd.f32 v14, v2;
	[tilespmem:s2+$0xB0] =	vst v3;
	v59 =	vld [tilespmem:s12+$0x6420]  }
0x84: {  	s0 =	smov.u32 @p1 s13;
	v3 =	vld [tilespmem:s11+$0x6400]  }
0x85: {  	v5 =	vadd.f32 v58, v5;
	[tilespmem:s30+$0xFFFFFF00] =	vst v2;
	v2 =	vld [tilespmem:s0+$0x6400]  }
0x86: {  	v1 =	vadd.f32 v60, v1  }
0x87: {  	[tilespmem:s30+$0xFFFFFF40] =	vst v5;
	v63 =	vld [tilespmem:s7+$0x6410];
	v0 =	vadd.f32 v62, v0  }
0x88: {  	[tilespmem:s30+$0xFFFFFF80] =	vst v1;
	v5 =	vadd.f32 v59, v6;
	v6 =	vld [tilespmem:s31+$0xFFFFFF10]  }
0x89: {  	v4 =	vadd.f32 v61, v4;
	[tilespmem:s30+$0x0] =	vst v0;
	v0 =	vadd.f32 v3, v8;
	v3 =	vld [tilespmem:s22+$0x6410]  }
0x8a: {  	v2 =	vadd.f32 v2, v7;
	[tilespmem:s30+$0xE0] =	vst v5;
	v5 =	vld [tilespmem:s31+$0xFFFFFF50]  }
0x8b: {  	[tilespmem:s30+$0xFFFFFFC0] =	vst v4;
	v1 =	vld [tilespmem:s31+$0xF0]  }
0x8c: {  	[tilespmem:s30+$0x40] =	vst v2;
	v4 =	vld [tilespmem:s12+$0x6430]  }
0x8d: {  	[tilespmem:s30+$0x80] =	vst v0;
	v0 =	vld [tilespmem:s8+$0x6410];
	v2 =	vadd.f32 v63, v6  }
0x8e: {  	v6 =	vld [tilespmem:s31+$0xFFFFFF90]  }
0x8f: {  	[tilespmem:s30+$0xFFFFFF10] =	vst v2;
	v2 =	vld [tilespmem:s31+$0xFFFFFFD0]  }
0x90: {  	v3 =	vadd.f32 v3, v5;
	v5 =	vld [tilespmem:s31+$0x10]  }
0x91: {  	v1 =	vadd.f32 v4, v1;
	v4 =	vld [tilespmem:s5+$0x6410]  }
0x92: {  	v7 =	vld [tilespmem:s31+$0xFFFFFF20]  }
0x93: {  	[tilespmem:s30+$0xF0] =	vst v1;
	v1 =	vld [tilespmem:s10+$0x6410]  }
0x94: {  	[tilespmem:s30+$0xFFFFFF50] =	vst v3;
	v3 =	vld [tilespmem:s31+$0x50];
	v0 =	vadd.f32 v0, v6  }
0x95: {  	v6 =	vld [tilespmem:s0+$0x6410]  }
0x96: {  	[tilespmem:s30+$0xFFFFFF90] =	vst v0;
	v0 =	vadd.f32 v4, v2;
	v2 =	vld [tilespmem:s31+$0x90]  }
0x97: {  	v4 =	vld [tilespmem:s11+$0x6410]  }
0x98: {  	[tilespmem:s30+$0xFFFFFFD0] =	vst v0;
	v0 =	vadd.f32 v1, v5;
	v1 =	vld [tilespmem:s7+$0x6420]  }
0x99: {  	v5 =	vld [tilespmem:s31+$0xFFFFFF60]  }
0x9a: {  	[tilespmem:s30+$0x10] =	vst v0;
	v0 =	vadd.f32 v6, v3;
	v3 =	vld [tilespmem:s22+$0x6420]  }
0x9b: {  	v6 =	vld [tilespmem:s31+$0xFFFFFFA0]  }
0x9c: {  	s28 =	sld [smem:$0x7FC];
	[tilespmem:s30+$0x50] =	vst v0;
	v0 =	vadd.f32 v4, v2;
	v2 =	vld [tilespmem:s8+$0x6420]  }
0x9d: {  	v1 =	vadd.f32 v1, v7;
	v7 =	vld [tilespmem:s31+$0xFFFFFFE0]  }
0x9e: {  	[tilespmem:s30+$0x90] =	vst v0;
	v0 =	vld [tilespmem:s5+$0x6420]  }
0x9f: {  	p0 =	seq.s32 s28, $0x1;
	v4 =	vld [tilespmem:s10+$0x6420]  }
.Ltmp0:
0xa0: {  	[tilespmem:s30+$0xFFFFFF20] =	vst v1;
	v3 =	vadd.f32 v3, v5;
	v1 =	vld [tilespmem:s31+$0x20];
	(pc) =	sbr.rel @p0 .LBB2_3-.Ltmp0, $4  }
0xa1: {  	v5 =	vld [tilespmem:s0+$0x6420]  }
0xa2: {  	[tilespmem:s30+$0xFFFFFF60] =	vst v3;
	v3 =	vadd.f32 v2, v6;
	v2 =	vld [tilespmem:s31+$0x60]  }
0xa3: {  	v6 =	vadd.f32 v0, v7;
	v0 =	vld [tilespmem:s31+$0xA0]  }
0xa4: {  	s9 =	smov.u32 s31;
	s2 =	smov.u32 s30;
	[tilespmem:s30+$0xFFFFFFA0] =	vst v3;
	v3 =	vld [tilespmem:s11+$0x6420]  }
0xa5: {  	v7 =	vld [tilespmem:s31+$0xFFFFFF30]  }
0xa6: {  	v8 =	vld [tilespmem:s7+$0x6430]  }
0xa7: {  	v9 =	vld [tilespmem:s31+$0xFFFFFF70]  }
0xa8: {  	v10 =	vld [tilespmem:s22+$0x6430]  }
0xa9: {  	v11 =	vld [tilespmem:s31+$0xFFFFFFB0]  }
0xaa: {  	[tilespmem:s30+$0xFFFFFFE0] =	vst v6;
	v1 =	vadd.f32 v4, v1;
	v54 =	vld [tilespmem:s8+$0x6430]  }
0xab: {  	v6 =	vld [tilespmem:s31+$0xFFFFFFF0]  }
0xac: {  	v56 =	vld [tilespmem:s5+$0x6430];
	[tilespmem:s30+$0x20] =	vst v1;
	v55 =	vadd.f32 v5, v2  }
0xad: {  	v57 =	vld [tilespmem:s9+$0x30]  }
0xae: {  	v58 =	vld [tilespmem:s10+$0x6430];
	[tilespmem:s30+$0x60] =	vst v55;
	v0 =	vadd.f32 v3, v0  }
0xaf: {  	v59 =	vld [tilespmem:s9+$0x70]  }
0xb0: {  	v60 =	vld [tilespmem:s0+$0x6430];
	[tilespmem:s30+$0xA0] =	vst v0  }
0xb1: {  	v7 =	vadd.f32 v8, v7;
	v61 =	vld [tilespmem:s9+$0xB0]  }
0xb2: {  	v9 =	vadd.f32 v10, v9;
	v62 =	vld [tilespmem:s11+$0x6430]  }
0xb3: {  	v4 =	vadd.f32 v54, v11;
	[tilespmem:s30+$0xFFFFFF30] =	vst v7  }
0xb4: {  	v2 =	vadd.f32 v56, v6;
	[tilespmem:s30+$0xFFFFFF70] =	vst v9  }
0xb5: {  	[tilespmem:s30+$0xFFFFFFB0] =	vst v4;
	v1 =	vadd.f32 v58, v57  }
0xb6: {  	[tilespmem:s30+$0xFFFFFFF0] =	vst v2;
	v0 =	vadd.f32 v60, v59  }
0xb7: {  	p0 =	sne.s32 s26, $0x31;
	[tilespmem:s2+$0x30] =	vst v1;
	v63 =	vadd.f32 v62, v61  }
.Ltmp1:
0xb8: {  	s28 =	rddreg [dreg:$0x5];
	[tilespmem:s2+$0x70] =	vst v0;
	(pc) =	sbr.rel @p0 .LBB2_6-.Ltmp1, $4  }
0xb9: {  	s30 =	sadd.s32 s28, s29;
	[tilespmem:s2+$0xB0] =	vst v63  }
0xba: {  	s3 =	simm.s32 $0x11600;
	s0 =	sshll.u32 s30, $0x4;
	s1 =	rddreg [dreg:$0x8]  }
0xbb: {  	s31 =	simm.s32 $0x40;
	s2 =	simm.s32 $0x80;
	s0 =	sadd.s32 s1, s0  }
0xbc: {  	[hbm4b:s0+s31] =	stream.strided.scatter [tilespmem:s3], [sflag:$0x3], $0x4000, s2, s31, $0x38;
	[tilespmem:$0x19600] =	vst v63  }
.Ltmp2:
0xbd: {  	(pc) =	sbr.rel .LBB2_7-.Ltmp2, $4  }
0xbe: {  	s0 =	simm.s32 $0x2  }
0xbf: {  	_ =	swait.ge [sflag:s0], $0x4000  }
0xc0: {  	[sflag:s0] =	ssyncset.done $0x0  }
0xc1: {  	[sflag:s0] =	ssyncadd.s32 $0xFFFFC000  }
.LBB2_6:
0xc2: {  	s0 =	sadd.s32 $0x200, s29;
	s1 =	rddreg [dreg:$0x6];
	s3 =	simm.s32 $0x9600  }
0xc3: {  	[tilespmem:s3], [sflag:$0x1] =	stream.indirect.gather [hbm4b:s1+s2], $0x40, s0, s2, $0xb8;
	[tilespmem:$0x19600] =	vst v63  }
0xc4: {  	s25 =	sadd.s32 $0x280, s29;
	s29 =	simm.s32 $0xB600;
	s30 =	simm.s32 $0x2  }
0xc5: {  	[tilespmem:s29], [sflag:$0x1] =	stream.indirect.gather [hbm4b:s1+s2], $0x40, s25, s2, $0xb8;
	[tilespmem:$0x19600] =	vst v63  }
0xc6: {  	_ =	swait.ge [sflag:s30], $0x4000  }
0xc7: {  	s31 =	sld [smem:$0x7FD];
	_ =	sdelay $0x2  }
0xc8: {  	p0 =	seq.s32 s31, $0x1  }
.Ltmp3:
0xc9: {  	_ = 	snop;
	(pc) =	sbr.rel @p0 .LBB2_8-.Ltmp3, $3  }
0xca: {  	_ =	sdelay $0x1  }
0xcb: {  	[sflag:s30] =	ssyncset.done $0x0  }
0xcc: {  	[sflag:s30] =	ssyncadd.s32 $0xFFFFC000  }
.LBB2_7:
0xcd: {  	s0 =	simm.s32 $0x4  }
0xce: {  	_ =	swait.ge [sflag:s0], $0x4000  }
0xcf: {  	[sflag:s0] =	ssyncset.done $0x0  }
0xd0: {  	[sflag:s0] =	ssyncadd.s32 $0xFFFFC000  }
.LBB2_8:
0xd1: {  	s0 =	rddreg [dreg:$0x4]  }
0xd2: {  	s30 =	simm.s32 $0xD700;
	s0 =	sadd.s32 $0xFFFFFFF8, s0  }
0xd3: {  	s1 =	sadd.s32 $0x10F, s0;
	s2 =	sadd.s32 $0x47, s0;
	s3 =	sadd.s32 $0x109, s0  }
0xd4: {  	s4 =	sadd.s32 $0x10A, s0;
	s6 =	sadd.s32 $0x10B, s0;
	s11 =	sadd.s32 $0x10C, s0  }
0xd5: {  	s12 =	sadd.s32 $0x10D, s0;
	s10 =	sadd.s32 $0x10E, s0;
	s5 =	sadd.s32 $0x41, s0  }
0xd6: {  	s7 =	sadd.s32 $0x42, s0;
	s8 =	sadd.s32 $0x43, s0;
	s13 =	sadd.s32 $0x44, s0  }
0xd7: {  	s14 =	sadd.s32 $0x45, s0;
	p0 =	sgt.u32 s1, $0xC7;
	p6 =	sgt.u32 s3, $0xC7  }
0xd8: {  	p4 =	sgt.u32 s4, $0xC7;
	p5 =	sgt.u32 s6, $0xC7;
	s1 =	smov.u32 @p0 s2  }
0xd9: {  	p1 =	sgt.u32 s11, $0xC7;
	p2 =	sgt.u32 s12, $0xC7;
	s9 =	sshll.u32 s1, $0x6  }
0xda: {  	v0 =	vld [tilespmem:s30+$0xC0];
	s2 =	sadd.s32 $0x40, s0;
	p0 =	sgt.s32 s1, $0xC7;
	s1 =	sadd.s32 $0xFFFFCE00, s9  }
0xdb: {  	v2 =	vld [tilespmem:s30+$0xFFFFFF40];
	s3 =	smov.u32 @p6 s5;
	s4 =	smov.u32 @p4 s7;
	s9 =	smov.u32 @p0 s1  }
0xdc: {  	s6 =	smov.u32 @p5 s8;
	s11 =	smov.u32 @p1 s13;
	s1 =	sadd.s32 $0x108, s0;
	v1 =	vld [tilespmem:s9+$0x6400]  }
0xdd: {  	v4 =	vld [tilespmem:s30+$0xFFFFFF80];
	s12 =	smov.u32 @p2 s14;
	p2 =	sgt.s32 s3, $0xC7;
	p3 =	sgt.u32 s1, $0xC7  }
0xde: {  	v5 =	vld [tilespmem:s30+$0xFFFFFFC0];
	s7 =	sshll.u32 s4, $0x6;
	s1 =	smov.u32 @p3 s2;
	s2 =	sshll.u32 s3, $0x6  }
0xdf: {  	v6 =	vld [tilespmem:s30+$0x0];
	s8 =	sshll.u32 s1, $0x6;
	p1 =	sgt.s32 s1, $0xC7;
	s1 =	sadd.s32 $0xFFFFCE00, s2  }
0xe0: {  	v7 =	vld [tilespmem:s30+$0x40];
	p0 =	sgt.u32 s10, $0xC7;
	s0 =	sadd.s32 $0x46, s0;
	s2 =	smov.u32 @p2 s1  }
0xe1: {  	s10 =	smov.u32 @p0 s0;
	p0 =	sgt.s32 s4, $0xC7;
	s3 =	sadd.s32 $0xFFFFCE00, s7;
	v9 =	vld [tilespmem:s2+$0x6400];
	v0 =	vadd.f32 v1, v0  }
0xe2: {  	s29 =	simm.s32 $0x15700;
	v8 =	vld [tilespmem:s30+$0x80];
	s7 =	smov.u32 @p0 s3  }
0xe3: {  	s5 =	sadd.s32 $0xFFFFCE00, s8;
	v11 =	vld [tilespmem:s7+$0x6400];
	[tilespmem:s29+$0xC0] =	vst v0  }
0xe4: {  	s8 =	smov.u32 @p1 s5;
	s5 =	sshll.u32 s6, $0x6;
	v0 =	vld [tilespmem:s30+$0xD0]  }
0xe5: {  	s1 =	sshll.u32 s12, $0x6;
	p1 =	sgt.s32 s6, $0xC7;
	s4 =	sadd.s32 $0xFFFFCE00, s5;
	v3 =	vld [tilespmem:s9+$0x6410]  }
0xe6: {  	v1 =	vld [tilespmem:s30+$0xFFFFFF00];
	s5 =	smov.u32 @p1 s4;
	s4 =	sadd.s32 $0xFFFFCE00, s1;
	p1 =	sgt.s32 s12, $0xC7;
	v2 =	vadd.f32 v9, v2  }
0xe7: {  	v12 =	vld [tilespmem:s5+$0x6400];
	s1 =	smov.u32 @p1 s4  }
0xe8: {  	v13 =	vld [tilespmem:s1+$0x6400];
	[tilespmem:s29+$0xFFFFFF40] =	vst v2  }
0xe9: {  	v2 =	vadd.f32 v11, v4;
	v56 =	vld [tilespmem:s30+$0xFFFFFF50]  }
0xea: {  	v0 =	vadd.f32 v3, v0;
	v3 =	vld [tilespmem:s8+$0x6400]  }
0xeb: {  	[tilespmem:s29+$0xFFFFFF80] =	vst v2;
	v2 =	vld [tilespmem:s2+$0x6410]  }
0xec: {  	v57 =	vld [tilespmem:s30+$0xFFFFFF90];
	[tilespmem:s29+$0xD0] =	vst v0  }
0xed: {  	s0 =	sshll.u32 s11, $0x6;
	v5 =	vadd.f32 v12, v5;
	v0 =	vld [tilespmem:s30+$0xE0]  }
0xee: {  	s31 =	sshll.u32 s10, $0x6;
	s3 =	sadd.s32 $0xFFFFCE00, s0;
	p0 =	sgt.s32 s11, $0xC7;
	v10 =	vld [tilespmem:s9+$0x6420]  }
0xef: {  	s0 =	smov.u32 @p0 s3;
	s3 =	sadd.s32 $0xFFFFCE00, s31;
	p0 =	sgt.s32 s10, $0xC7;
	[tilespmem:s29+$0xFFFFFFC0] =	vst v5;
	v5 =	vld [tilespmem:s7+$0x6410];
	v1 =	vadd.f32 v3, v1  }
0xf0: {  	s31 =	smov.u32 @p0 s3;
	v3 =	vld [tilespmem:s0+$0x6400]  }
0xf1: {  	v2 =	vadd.f32 v2, v56;
	[tilespmem:s29+$0xFFFFFF00] =	vst v1;
	v1 =	vld [tilespmem:s31+$0x6400]  }
0xf2: {  	v54 =	vld [tilespmem:s30+$0xFFFFFF10]  }
0xf3: {  	[tilespmem:s29+$0xFFFFFF50] =	vst v2;
	v0 =	vadd.f32 v10, v0;
	v55 =	vld [tilespmem:s8+$0x6410]  }
0xf4: {  	v62 =	vld [tilespmem:s30+$0xFFFFFF60]  }
0xf5: {  	v7 =	vadd.f32 v13, v7;
	[tilespmem:s29+$0xE0] =	vst v0;
	v3 =	vadd.f32 v3, v6;
	v6 =	vld [tilespmem:s30+$0xFFFFFFD0]  }
0xf6: {  	v0 =	vld [tilespmem:s30+$0xF0]  }
0xf7: {  	[tilespmem:s29+$0x40] =	vst v7;
	v4 =	vld [tilespmem:s9+$0x6430]  }
0xf8: {  	[tilespmem:s29+$0x0] =	vst v3;
	v3 =	vld [tilespmem:s5+$0x6410]  }
0xf9: {  	v1 =	vadd.f32 v1, v8;
	v8 =	vld [tilespmem:s30+$0x50]  }
0xfa: {  	v58 =	vld [tilespmem:s30+$0x10]  }
0xfb: {  	v7 =	vld [tilespmem:s0+$0x6410]  }
0xfc: {  	v9 =	vadd.f32 v55, v54;
	[tilespmem:s29+$0x80] =	vst v1;
	v1 =	vld [tilespmem:s1+$0x6410]  }
0xfd: {  	v59 =	vld [tilespmem:s30+$0x90]  }
0xfe: {  	[tilespmem:s29+$0xFFFFFF10] =	vst v9;
	v60 =	vld [tilespmem:s31+$0x6410]  }
0xff: {  	v2 =	vadd.f32 v5, v57;
	v61 =	vld [tilespmem:s30+$0xFFFFFF20]  }
0x100: {  	v5 =	vld [tilespmem:s8+$0x6420]  }
0x101: {  	[tilespmem:s29+$0xFFFFFF90] =	vst v2;
	v2 =	vadd.f32 v3, v6;
	v3 =	vld [tilespmem:s2+$0x6420]  }
0x102: {  	v6 =	vld [tilespmem:s30+$0xFFFFFFA0]  }
0x103: {  	[tilespmem:s29+$0xFFFFFFD0] =	vst v2;
	v2 =	vadd.f32 v7, v58;
	v7 =	vld [tilespmem:s7+$0x6420]  }
0x104: {  	v0 =	vadd.f32 v4, v0;
	v63 =	vld [tilespmem:s30+$0xFFFFFFE0]  }
0x105: {  	[tilespmem:s29+$0x10] =	vst v2;
	v2 =	vadd.f32 v1, v8;
	v8 =	vld [tilespmem:s5+$0x6420]  }
0x106: {  	[tilespmem:s29+$0xF0] =	vst v0;
	v0 =	vadd.f32 v60, v59;
	v1 =	vld [tilespmem:s30+$0x20]  }
0x107: {  	v5 =	vadd.f32 v5, v61;
	v4 =	vld [tilespmem:s0+$0x6420];
	[tilespmem:s29+$0x50] =	vst v2  }
0x108: {  	[tilespmem:s29+$0x90] =	vst v0;
	v0 =	vadd.f32 v3, v62;
	v2 =	vld [tilespmem:s30+$0x60]  }
0x109: {  	[tilespmem:s29+$0xFFFFFF20] =	vst v5;
	v3 =	vadd.f32 v7, v6;
	v5 =	vld [tilespmem:s1+$0x6420]  }
0x10a: {  	[tilespmem:s29+$0xFFFFFF60] =	vst v0;
	v0 =	vld [tilespmem:s30+$0xA0]  }
0x10b: {  	s22 =	simm.s32 $0x0;
	s10 =	simm.s32 $0x15700;
	s9 =	simm.s32 $0xD700;
	[tilespmem:s29+$0xFFFFFFA0] =	vst v3;
	v6 =	vadd.f32 v8, v63;
	v3 =	vld [tilespmem:s31+$0x6420]  }
.LBB2_9:
0x10c: {  	_ = 	snop  }
0x10d: {  	v7 =	vld [tilespmem:s30+$0xFFFFFF30]  }
0x10e: {  	[tilespmem:s29+$0xFFFFFFE0] =	vst v6;
	v6 =	vld [tilespmem:s30+$0xFFFFFF70];
	v1 =	vadd.f32 v4, v1  }
0x10f: {  	v4 =	vld [tilespmem:s8+$0x6430]  }
0x110: {  	s3 =	rddreg [dreg:$0x4];
	v0 =	vadd.f32 v3, v0;
	[tilespmem:s29+$0x20] =	vst v1;
	v1 =	vadd.f32 v5, v2;
	v2 =	vld [tilespmem:s2+$0x6430]  }
0x111: {  	s24 =	sadd.s32 s22, s3;
	s22 =	sadd.s32 $0x8, s22;
	v5 =	vld [tilespmem:s30+$0xFFFFFFB0]  }
0x112: {  	p0 =	slt.u32 s22, $0xF8;
	[tilespmem:s29+$0xA0] =	vst v0;
	v0 =	vld [tilespmem:s5+$0x6430]  }
0x113: {  	s3 =	simm.s32 @!p0 $0x0;
	v10 =	vld [tilespmem:s0+$0x6430]  }
0x114: {  	s3 =	simm.s32 @p0 $0x1;
	s2 =	sadd.s32 $0x10F, s24;
	v13 =	vld [tilespmem:s9+$0xB0]  }
0x115: {  	[smem:$0x7FB] =	sst s3;
	s3 =	sadd.s32 $0x47, s24;
	p0 =	sgt.u32 s2, $0xC7;
	v57 =	vld [tilespmem:s31+$0x6430]  }
0x116: {  	[tilespmem:s29+$0x60] =	vst v1;
	v1 =	vld [tilespmem:s7+$0x6430];
	s2 =	smov.u32 @p0 s3  }
0x117: {  	s13 =	sadd.s32 $0x108, s24;
	s14 =	sadd.s32 $0x109, s24;
	v3 =	vadd.f32 v4, v7;
	v4 =	vld [tilespmem:s30+$0xFFFFFFF0];
	s12 =	sshll.u32 s2, $0x6  }
0x118: {  	p0 =	sgt.s32 s2, $0xC7;
	s30 =	sadd.s32 $0x200, s30;
	v11 =	vld [tilespmem:s9+$0x70];
	s2 =	sadd.s32 $0xFFFFCE00, s12  }
0x119: {  	s15 =	sadd.s32 $0x10A, s24;
	s18 =	sadd.s32 $0x10B, s24;
	v2 =	vadd.f32 v2, v6;
	s12 =	smov.u32 @p0 s2;
	v6 =	vld [tilespmem:s30+$0xC0]  }
0x11a: {  	s17 =	sadd.s32 $0x10C, s24;
	s21 =	sadd.s32 $0x10D, s24;
	s20 =	sadd.s32 $0x10E, s24;
	v7 =	vld [tilespmem:s12+$0x6400]  }
0x11b: {  	s4 =	sadd.s32 $0x42, s24;
	s6 =	sadd.s32 $0x44, s24;
	p4 =	sgt.u32 s13, $0xC7;
	v12 =	vld [tilespmem:s1+$0x6430]  }
0x11c: {  	p2 =	sgt.u32 s15, $0xC7;
	p3 =	sgt.u32 s18, $0xC7;
	p5 =	sgt.u32 s17, $0xC7;
	v8 =	vld [tilespmem:s30+$0x80]  }
0x11d: {  	p6 =	sgt.u32 s21, $0xC7;
	p1 =	sgt.u32 s20, $0xC7;
	s17 =	smov.u32 @p5 s6;
	[tilespmem:s29+$0xFFFFFF30] =	vst v3;
	v3 =	vld [tilespmem:s9+$0x30];
	v1 =	vadd.f32 v1, v5  }
0x11e: {  	s15 =	smov.u32 @p2 s4;
	p2 =	sgt.s32 s17, $0xC7;
	s5 =	sadd.s32 $0x43, s24;
	[tilespmem:s29+$0xFFFFFF70] =	vst v2;
	v2 =	vld [tilespmem:s30+$0xFFFFFF00];
	v0 =	vadd.f32 v0, v4  }
0x11f: {  	s18 =	smov.u32 @p3 s5;
	p3 =	sgt.s32 s15, $0xC7;
	s3 =	sadd.s32 $0x41, s24;
	v5 =	vld [tilespmem:s30+$0xFFFFFF40];
	[tilespmem:s29+$0xFFFFFFB0] =	vst v1;
	v6 =	vadd.f32 v7, v6  }
0x120: {  	s7 =	sadd.s32 $0x45, s24;
	s2 =	sadd.s32 $0x40, s24;
	v4 =	vld [tilespmem:s30+$0xFFFFFFC0];
	[tilespmem:s29+$0xFFFFFFF0] =	vst v0;
	s29 =	sadd.s32 $0x200, s29  }
0x121: {  	s21 =	smov.u32 @p6 s7;
	p0 =	sgt.u32 s14, $0xC7;
	s13 =	smov.u32 @p4 s2;
	v1 =	vld [tilespmem:s30+$0xFFFFFF80];
	[tilespmem:s29+$0xC0] =	vst v6  }
0x122: {  	s7 =	sshll.u32 s15, $0x6;
	s14 =	smov.u32 @p0 s3;
	s8 =	sshll.u32 s13, $0x6;
	v6 =	vld [tilespmem:s30+$0xD0]  }
0x123: {  	s2 =	sshll.u32 s14, $0x6;
	p5 =	sgt.s32 s13, $0xC7;
	s6 =	sadd.s32 $0xFFFFCE00, s8;
	v9 =	vld [tilespmem:s12+$0x6410]  }
0x124: {  	p6 =	sgt.s32 s14, $0xC7;
	s11 =	sadd.s32 $0xFFFFCE00, s2;
	s8 =	smov.u32 @p5 s6;
	v0 =	vld [tilespmem:s30+$0x0]  }
0x125: {  	s5 =	sshll.u32 s18, $0x6;
	s19 =	sadd.s32 $0xFFFFCE00, s7;
	s2 =	smov.u32 @p6 s11;
	v14 =	vld [tilespmem:s8+$0x6400];
	v3 =	vadd.f32 v10, v3  }
0x126: {  	s23 =	sadd.s32 $0xFFFFCE00, s5;
	s7 =	smov.u32 @p3 s19;
	s3 =	sadd.s32 $0x46, s24;
	v58 =	vld [tilespmem:s2+$0x6400]  }
0x127: {  	p4 =	sgt.s32 s18, $0xC7;
	s20 =	smov.u32 @p1 s3;
	s3 =	sshll.u32 s17, $0x6;
	v60 =	vld [tilespmem:s7+$0x6400];
	[tilespmem:s10+$0x30] =	vst v3;
	v3 =	vadd.f32 v12, v11  }
0x128: {  	s5 =	smov.u32 @p4 s23;
	s24 =	sadd.s32 $0xFFFFCE00, s3;
	s0 =	smov.u32 s3;
	v7 =	vld [tilespmem:s30+$0x40];
	v6 =	vadd.f32 v9, v6  }
0x129: {  	s4 =	sshll.u32 s21, $0x6;
	s0 =	smov.u32 @p2 s24;
	v61 =	vld [tilespmem:s5+$0x6400];
	[tilespmem:s10+$0x70] =	vst v3  }
0x12a: {  	s1 =	smov.u32 s4;
	s16 =	sshll.u32 s20, $0x6;
	v62 =	vld [tilespmem:s0+$0x6400];
	v3 =	vadd.f32 v57, v13;
	[tilespmem:s29+$0xD0] =	vst v6  }
0x12b: {  	p0 =	sgt.s32 s20, $0xC7;
	s25 =	sadd.s32 $0xFFFFCE00, s16;
	s31 =	smov.u32 s16;
	v6 =	vld [tilespmem:s30+$0xE0]  }
0x12c: {  	s13 =	sadd.s32 $0xFFFFCE00, s4;
	p1 =	sgt.s32 s21, $0xC7;
	s31 =	smov.u32 @p0 s25;
	v2 =	vadd.f32 v14, v2;
	[tilespmem:s10+$0xB0] =	vst v3;
	v59 =	vld [tilespmem:s12+$0x6420]  }
0x12d: {  	s1 =	smov.u32 @p1 s13;
	v3 =	vld [tilespmem:s31+$0x6400]  }
0x12e: {  	v5 =	vadd.f32 v58, v5;
	[tilespmem:s29+$0xFFFFFF00] =	vst v2;
	v2 =	vld [tilespmem:s1+$0x6400]  }
0x12f: {  	v1 =	vadd.f32 v60, v1  }
0x130: {  	[tilespmem:s29+$0xFFFFFF40] =	vst v5;
	v63 =	vld [tilespmem:s8+$0x6410];
	v0 =	vadd.f32 v62, v0  }
0x131: {  	[tilespmem:s29+$0xFFFFFF80] =	vst v1;
	v5 =	vadd.f32 v59, v6;
	v6 =	vld [tilespmem:s30+$0xFFFFFF10]  }
0x132: {  	v4 =	vadd.f32 v61, v4;
	[tilespmem:s29+$0x0] =	vst v0;
	v0 =	vadd.f32 v3, v8;
	v3 =	vld [tilespmem:s2+$0x6410]  }
0x133: {  	v2 =	vadd.f32 v2, v7;
	[tilespmem:s29+$0xE0] =	vst v5;
	v5 =	vld [tilespmem:s30+$0xFFFFFF50]  }
0x134: {  	[tilespmem:s29+$0xFFFFFFC0] =	vst v4;
	v1 =	vld [tilespmem:s30+$0xF0]  }
0x135: {  	[tilespmem:s29+$0x40] =	vst v2;
	v4 =	vld [tilespmem:s12+$0x6430]  }
0x136: {  	[tilespmem:s29+$0x80] =	vst v0;
	v0 =	vld [tilespmem:s7+$0x6410];
	v2 =	vadd.f32 v63, v6  }
0x137: {  	v6 =	vld [tilespmem:s30+$0xFFFFFF90]  }
0x138: {  	[tilespmem:s29+$0xFFFFFF10] =	vst v2;
	v2 =	vld [tilespmem:s30+$0xFFFFFFD0]  }
0x139: {  	v3 =	vadd.f32 v3, v5;
	v5 =	vld [tilespmem:s30+$0x10]  }
0x13a: {  	v1 =	vadd.f32 v4, v1;
	v4 =	vld [tilespmem:s5+$0x6410]  }
0x13b: {  	v7 =	vld [tilespmem:s30+$0xFFFFFF20]  }
0x13c: {  	[tilespmem:s29+$0xF0] =	vst v1;
	v1 =	vld [tilespmem:s0+$0x6410]  }
0x13d: {  	[tilespmem:s29+$0xFFFFFF50] =	vst v3;
	v3 =	vld [tilespmem:s30+$0x50];
	v0 =	vadd.f32 v0, v6  }
0x13e: {  	v6 =	vld [tilespmem:s1+$0x6410]  }
0x13f: {  	[tilespmem:s29+$0xFFFFFF90] =	vst v0;
	v0 =	vadd.f32 v4, v2;
	v2 =	vld [tilespmem:s30+$0x90]  }
0x140: {  	v4 =	vld [tilespmem:s31+$0x6410]  }
0x141: {  	[tilespmem:s29+$0xFFFFFFD0] =	vst v0;
	v0 =	vadd.f32 v1, v5;
	v1 =	vld [tilespmem:s8+$0x6420]  }
0x142: {  	v5 =	vld [tilespmem:s30+$0xFFFFFF60]  }
0x143: {  	[tilespmem:s29+$0x10] =	vst v0;
	v0 =	vadd.f32 v6, v3;
	v3 =	vld [tilespmem:s2+$0x6420]  }
0x144: {  	v6 =	vld [tilespmem:s30+$0xFFFFFFA0]  }
0x145: {  	s25 =	sld [smem:$0x7FB];
	[tilespmem:s29+$0x50] =	vst v0;
	v0 =	vadd.f32 v4, v2;
	v2 =	vld [tilespmem:s7+$0x6420]  }
0x146: {  	v1 =	vadd.f32 v1, v7;
	v7 =	vld [tilespmem:s30+$0xFFFFFFE0]  }
0x147: {  	[tilespmem:s29+$0x90] =	vst v0;
	v0 =	vld [tilespmem:s5+$0x6420]  }
0x148: {  	p0 =	seq.s32 s25, $0x1;
	v4 =	vld [tilespmem:s0+$0x6420]  }
.Ltmp4:
0x149: {  	[tilespmem:s29+$0xFFFFFF20] =	vst v1;
	v3 =	vadd.f32 v3, v5;
	v1 =	vld [tilespmem:s30+$0x20];
	(pc) =	sbr.rel @p0 .LBB2_9-.Ltmp4, $4  }
0x14a: {  	v5 =	vld [tilespmem:s1+$0x6420]  }
0x14b: {  	[tilespmem:s29+$0xFFFFFF60] =	vst v3;
	v3 =	vadd.f32 v2, v6;
	v2 =	vld [tilespmem:s30+$0x60]  }
0x14c: {  	v6 =	vadd.f32 v0, v7;
	v0 =	vld [tilespmem:s30+$0xA0]  }
0x14d: {  	s9 =	smov.u32 s30;
	s10 =	smov.u32 s29;
	[tilespmem:s29+$0xFFFFFFA0] =	vst v3;
	v3 =	vld [tilespmem:s31+$0x6420]  }
0x14e: {  	v7 =	vld [tilespmem:s30+$0xFFFFFF30]  }
0x14f: {  	v8 =	vld [tilespmem:s8+$0x6430]  }
0x150: {  	v9 =	vld [tilespmem:s30+$0xFFFFFF70]  }
0x151: {  	v10 =	vld [tilespmem:s2+$0x6430]  }
0x152: {  	v11 =	vld [tilespmem:s30+$0xFFFFFFB0]  }
0x153: {  	[tilespmem:s29+$0xFFFFFFE0] =	vst v6;
	v1 =	vadd.f32 v4, v1;
	v54 =	vld [tilespmem:s7+$0x6430]  }
0x154: {  	v6 =	vld [tilespmem:s30+$0xFFFFFFF0]  }
0x155: {  	v56 =	vld [tilespmem:s5+$0x6430];
	[tilespmem:s29+$0x20] =	vst v1;
	v55 =	vadd.f32 v5, v2  }
0x156: {  	v57 =	vld [tilespmem:s9+$0x30]  }
0x157: {  	v58 =	vld [tilespmem:s0+$0x6430];
	[tilespmem:s29+$0x60] =	vst v55;
	v0 =	vadd.f32 v3, v0  }
0x158: {  	v59 =	vld [tilespmem:s9+$0x70]  }
0x159: {  	v60 =	vld [tilespmem:s1+$0x6430];
	[tilespmem:s29+$0xA0] =	vst v0  }
0x15a: {  	v7 =	vadd.f32 v8, v7;
	v61 =	vld [tilespmem:s9+$0xB0]  }
0x15b: {  	v9 =	vadd.f32 v10, v9;
	v62 =	vld [tilespmem:s31+$0x6430]  }
0x15c: {  	v4 =	vadd.f32 v54, v11;
	[tilespmem:s29+$0xFFFFFF30] =	vst v7  }
0x15d: {  	v2 =	vadd.f32 v56, v6;
	[tilespmem:s29+$0xFFFFFF70] =	vst v9  }
0x15e: {  	[tilespmem:s29+$0xFFFFFFB0] =	vst v4;
	v1 =	vadd.f32 v58, v57  }
0x15f: {  	[tilespmem:s29+$0xFFFFFFF0] =	vst v2;
	v0 =	vadd.f32 v60, v59  }
0x160: {  	s24 =	rddreg [dreg:$0xe];
	[tilespmem:s10+$0x30] =	vst v1;
	v63 =	vadd.f32 v62, v61  }
0x161: {  	s26 =	sadd.s32 $0x1, s26;
	[tilespmem:s10+$0x70] =	vst v0  }
0x162: {  	s4 =	simm.s32 $0x80;
	p0 =	sne.s32 s26, $0x32;
	s0 =	sadd.s32 s28, s24;
	[tilespmem:s10+$0xB0] =	vst v63  }
.Ltmp5:
0x163: {  	s0 =	sshll.u32 s0, $0x4;
	s25 =	rddreg [dreg:$0x8];
	(pc) =	sbr.rel @p0 .LBB2_2-.Ltmp5, $4  }
0x164: {  	s29 =	simm.s32 $0x15600;
	s0 =	sand.u32 $0x1FFFF000, s0;
	s30 =	rddreg [dreg:$0xd]  }
0x165: {  	s28 =	simm.s32 $0x40;
	s31 =	rddreg [dreg:$0xc];
	s0 =	sadd.s32 s25, s0  }
0x166: {  	[hbm4b:s0+s28] =	stream.strided.scatter [tilespmem:s29], [sflag:$0x4], $0x4000, s4, s28, $0x38;
	[tilespmem:$0x19600] =	vst v63  }
0x167: {  	s2 =	sadd.s32 $0x200, s30;
	s0 =	sadd.s32 $0x200, s31  }
0x168: {  	s0 =	simm.s32 $0x3  }
0x169: {  	_ =	swait.ge [sflag:s0], $0x4000  }
0x16a: {  	[sflag:s0] =	ssyncset.done $0x0  }
0x16b: {  	s1 =	simm.s32 $0x4;
	[sflag:s0] =	ssyncadd.s32 $0xFFFFC000  }
0x16c: {  	_ =	swait.ge [sflag:s1], $0x4000  }
0x16d: {  	s2 =	rddreg [dreg:$0xb]  }
0x16e: {  	s31 =	rddreg [dreg:$0xa];
	s2 =	sadd.s32 $0x1, s2  }
0x16f: {  	p0 =	sne.s32 s2, s31  }
.Ltmp6:
0x170: {  	_ = 	snop;
	(pc) =	sbr.rel @p0 .LBB2_1-.Ltmp6, $3  }
0x171: {  	_ =	sdelay $0x1  }
0x172: {  	[sflag:s1] =	ssyncset.done $0x0  }
0x173: {  	[sflag:s1] =	ssyncadd.s32 $0xFFFFC000  }
0x174: {  	_ =	sfence.sel $0x180000  }
0x175: {  	[bflag:$0x0] =	sbarrier.arrive $0xFFFF  }
0x176: {  	_ =	strace $0x90000047  }
0x177: {  	s0 =	stileid.u32;
	[bflag:$0x2] =	sbarrier.arrive $0xFFFF  }
0x178: {  	p0 =	sne.s32 s0, $0x0;
	s0 =	rddreg [dreg:$0x2]  }
0x179: {  	s0 =	sadd.s32 @!p0 $0x100000, s0  }
0x17a: {  	[sflag:s0] =	ssyncadd.tile.s32 @!p0 $0x1;
	_ =	shalt  }
.Lfunc_end2:
_tile_overlayer_lowered:
.L_overlay_start_2:
0x17b: {  	(tag) =	ssettag $0x2  }
0x17c: {  	s0 =	rddreg [dreg:$0x0];
	s2 =	stileid.u32  }
0x17d: {  	s1 =	rddreg [dreg:$0x1];
	p0 =	sne.s32 s2, $0x0  }
0x17e: {  	s3 =	rddreg [dreg:$0x2];
	[bflag:$0x3] =	sbarrier.arrive $0xFFFF;
	s2 =	simm.s32 @!p0 $0x1C05  }
0x17f: {  	[timem:s3], [sflag:s2] =	dma.local @!p0 [hbm:s0], s1  }
0x180: {  	s0 =	simm.s32 @!p0 $0x5  }
0x181: {  	_ =	swait.ge @!p0 [sflag:s0], s1  }
0x182: {  	s1 =	ssub.s32 @!p0 $0x0, s1;
	[sflag:s0] =	ssyncset.done @!p0 $0x0  }
0x183: {  	[sflag:s0] =	ssyncadd.s32 @!p0 s1  }
0x184: {  	[bflag:$0x3] =	sbarrier.arrive $0xFFFF  }
0x185: {  	_ =	shalt  }

// kernel: sparse-core-data-format-call.cloned.1.call-start
scs
called_computation_lowered:
.L_overlay_start_0:
0x0: {  	s2 =	sld [smem:$0x3FD9]  }
0x1: {  	s3 =	sld [smem:$0x3FFE];
	_ =	sdelay $0x1  }
0x2: {  	s1 =	srdreg.scid  }
0x3: {  	s0 =	sand.u32 $0x1, s1  }
0x4: {  	s18 =	sshll.u32 s0, $0xA;
	s2 =	sadd.s32 s3, s2  }
0x5: {  	s2 =	sadd.s32 s2, s18  }
0x6: {  	[smem:$0x3FC5] =	sst s2  }
0x7: {  	_ = 	snop  }
0x8: {  	s2 =	sld [smem:$0x3FD0];
	(tm) =	ssettm $0x1  }
0x9: {  	s19 =	sld [smem:$0x3FFB];
	_ =	sdelay $0x3  }
0xa: {  	_ =	strace s19  }
0xb: {  	s3 =	sld [smem:$0x3FFC];
	_ =	sdelay $0x3  }
0xc: {  	_ =	strace s3  }
0xd: {  	s3 =	sld [smem:$0x3FFD];
	_ =	sdelay $0x3  }
0xe: {  	_ =	strace s3  }
0xf: {  	_ =	strace $0x8FFFFFFF  }
0x10: {  	s20 =	sld [smem:$0x3FDB];
	_ =	sdelay $0x1  }
0x11: {  	s4 =	simm.s32 $_scs_section_size  }
0x12: {  	s5 =	simm.s32 $_size__tile_overlayer_lowered;
	s6 =	simm.s32 $_tile_overlayer_lowered  }
0x13: {  	s23 =	simm.s32 $0x1BFF;
	s22 =	sshll.u32 s6, $0x1;
	s3 =	sadd.s32 s4, s20  }
0x14: {  	s7 =	simm.s32 $0x0;
	s21 =	sshll.u32 s5, $0x1;
	s5 =	sadd.s32 s22, s3  }
0x15: {  	[timem:s7], [sflag:s23] =	dma.local [hbm:s5], s21  }
0x16: {  	_ =	swait.ge [sflag:s23], s21  }
0x17: {  	s4 =	ssub.s32 $0x0, s21;
	[sflag:s23] =	ssyncset.done $0x0  }
0x18: {  	[sflag:s23] =	ssyncadd.s32 s4;
	_ =	sdelay $0x1  }
0x19: {  	s24 =	simm.s32 $0x1B8B  }
0x1a: {  	_ =	swait.ge [sflag:s24], $0x1  }
0x1b: {  	[sflag:s24] =	ssyncset.done $0x0  }
0x1c: {  	s26 =	simm.s32 $0x1B8E;
	s25 =	sld [smem:$0x3FFE];
	[sflag:s24] =	ssyncadd.s32 $0xFFFFFFFF  }
0x1d: {  	s27 =	simm.s32 $execute0_lowered;
	[smem:$0x3FD2] =	sst s26  }
0x1e: {  	s5 =	sshll.u32 s27, $0x1;
	_ =	strace $0x80000049;
	[dreg:$0x1] =	wrdreg $0xFFFFFFFF  }
0x1f: {  	s28 =	simm.s32 $_size_execute0_lowered;
	s3 =	sadd.s32 s3, s5;
	[dreg:$0x0] =	wrdreg $0x0  }
0x20: {  	s5 =	sshll.u32 s28, $0x1;
	[dreg:$0x2] =	wrdreg s3  }
0x21: {  	[dreg:$0x3] =	wrdreg s5  }
0x22: {  	[dreg:$0x4] =	wrdreg $0xC0  }
0x23: {  	_ =	task [dreg:s7], $0x5FFFF  }
0x24: {  	[dreg:$0x1] =	wrdreg $0xFFFFFFFF  }
0x25: {  	[dreg:$0x0] =	wrdreg $0x60  }
0x26: {  	[dreg:$0x2] =	wrdreg s25  }
0x27: {  	[dreg:$0x3] =	wrdreg s2  }
0x28: {  	[dreg:$0x4] =	wrdreg $0x9  }
0x29: {  	_ =	task.clear_ibuf [dreg:s7], $0x5FFFF;
	_ =	strace $0x90000049  }
0x2a: {  	s29 =	simm.s32 $0x9;
	_ =	strace $0x8000004B  }
0x2b: {  	_ =	swait.ge [sflag:s29], $0x1  }
0x2c: {  	[sflag:s29] =	ssyncadd.s32 $0xFFFFFFFF  }
0x2d: {  	_ =	strace $0x9000004B  }
0x2e: {  	_ =	sfence  }
0x2f: {  	s30 =	sld [smem:$0x0];
	_ =	sdelay $0x2  }
0x30: {  	s31 =	sshll.u32 s1, $0xD;
	s1 =	sshrl.u32 s1, $0x2  }
0x31: {  	s3 =	sand.u32 $0x4000, s31;
	s1 =	sadd.s32 s1, s30  }
0x32: {  	s0 =	sor.u32 s3, s0;
	s1 =	sshll.u32 s1, $0x11  }
0x33: {  	s0 =	sor.u32 s1, s0  }
0x34: {  	s0 =	sadd.s32 $0x8F2B, s0  }
0x35: {  	[sflag:s0] =	ssyncadd.remote.s32 $0x1  }
0x36: {  	_ =	sfence.sel $0xFFFF  }
0x37: {  	[dreg:$0x0] =	wrdreg $0xFFFFFFFF;
	(pc) =	sbr.abs _section_cstart, $3  }
0x38: {  	[dreg:$0x1] =	wrdreg $0xFFFFFFFF  }
0x39: {  	_ =	task.clear_ibuf [dreg:s7], $0x2FFFF;
	_ =	strace $0x9FFFFFFF  }
0x3a: {  	(tm) =	ssettm $0x7FFFFFFF  }
0x3b: {  	_ =	shalt  }
tec
execute0_lowered:
.L_overlay_start_1:
0x0: {  	(tag) =	ssettag $0x1  }
0x1: {  	s0 =	srdreg.scid  }
0x2: {  	s1 =	sshll.u32 s0, $0x4  }
0x3: {  	s0 =	stileid.u32;
	s1 =	sand.u32 $0x10, s1  }
0x4: {  	s1 =	sor.u32 s0, s1  }
0x5: {  	s6 =	rddreg [dreg:$0x0];
	s4 =	simm.s32 $0x1;
	s2 =	sshll.u32 s1, $0x7  }
0x6: {  	s7 =	simm.s32 $0x2;
	s12 =	simm.s32 $0x0;
	s1 =	ssub.s32 $0x1000, s2  }
0x7: {  	s8 =	simm.s32 $0x8000;
	s13 =	simm.s32 $0x0;
	s3 =	sand.u32 $0xF80, s1  }
0x8: {  	s9 =	simm.s32 $0x0;
	s5 =	sshrl.u32 s1, $0xC;
	p0 =	sne.s32 s3, $0x0  }
.Ltmp0:
0x9: {  	s1 =	rddreg [dreg:$0x2];
	s4 =	simm.s32 @!p0 $0x0;
	(pc) =	sbr.rel .LBB1_1-.Ltmp0, $4  }
0xa: {  	s11 =	simm.s32 $0x0;
	s3 =	rddreg [dreg:$0x1];
	s5 =	sadd.s32 s4, s5  }
0xb: {  	_ =	strace $0x8000004A;
	s4 =	simm.s32 $0x1;
	s5 =	smul.u32 $0xC8, s5  }
0xc: {  	s6 =	sadd.s32 $0x1600, s6;
	s10 =	smov.u32 s2;
	[sflag:s4] =	ssyncpa.u1 $0x0  }
0xd: {  	p0 =	por $0x0, $0x0;
	[sflag:s7] =	ssyncpa.u1 $0x0;
	s7 =	sor.u32 $0x1, s5  }
.LBB1_4:
0xe: {  	s16 =	sshll.u32 s13, $0x3;
	s17 =	sand.u32 $0x78, s13  }
0xf: {  	s30 =	sand.u32 $0x7E00, s13;
	s12 =	sshll.u32 s12, $0xF;
	s16 =	sand.u32 $0xC00, s16  }
0x10: {  	[tilespmem:s15+$0x810 ss:$0x81] =	vst.msk $0xffff, v2;
	s31 =	sand.u32 $0x7, s13;
	s16 =	sor.u32 s17, s16;
	s17 =	sadd.s32 s3, s30  }
0x11: {  	[tilespmem:s15+$0x1020 ss:$0x81] =	vst.msk $0xffff, v0;
	s13 =	sshll.u32 s31, $0x12;
	s12 =	sadd.s32 s12, s17;
	s16 =	sshrl.u32 s16, $0x3  }
0x12: {  	[tilespmem:s15+$0x0 ss:$0x81] =	vst.msk $0xffff, v1;
	s13 =	sor.u32 $0x400, s13;
	s12 =	sadd.s32 s16, s12  }
0x13: {  	[hbm4b:s12+s13] =	stream.strided.scatter [tilespmem:s14], [sflag:$0x2], $0x2000, s8, s13, $0x20;
	[tilespmem:$0x8080] =	vst v63  }
.LBB1_5:
0x14: {  	s14 =	sadd.s32 $0x1, s9  }
0x15: {  	s12 =	sadd.s32 $0x1000, s10;
	s16 =	smov.u32 s10;
	p2 =	sgt.s32 s14, $0xC7  }
0x16: {  	s16 =	smov.u32 @p2 s12  }
0x17: {  	s14 =	simm.s32 @p2 $0x0;
	p2 =	sgt.s32 s16, $0xFFF  }
0x18: {  	s16 =	smov.u32 @p2 s2;
	p2 =	sne.s32 s11, s7  }
.Ltmp1:
0x19: {  	p1 =	slt.u32 s11, $0x2;
	(pc) =	sbr.rel @!p2 .LBB1_6-.Ltmp1, $4  }
0x1a: {  	s15 =	simm.s32 @!p1 $0x2  }
0x1b: {  	s13 =	smov.u32 s10;
	p0 =	por !p0, !p0;
	_ =	swait.ge @!p1 [sflag:s15], $0x2000  }
0x1c: {  	s12 =	smov.u32 s9;
	[sflag:s15] =	ssyncset.done @!p1 $0x0;
	s9 =	smov.u32 s14  }
0x1d: {  	s11 =	sadd.s32 $0x1, s11;
	[sflag:s15] =	ssyncadd.s32 @!p1 $0xFFFFE000;
	s10 =	smov.u32 s16  }
.LBB1_1:
0x1e: {  	p1 =	sge.u32 s11, s5  }
0x1f: {  	s14 =	sand.u32 @!p1 $0x1FFFFFF, s9  }
0x20: {  	s15 =	smulhi.u32 @!p1 $0x147AE15, s14;
	_ =	sdelay $0x1  }
0x21: {  	s15 =	smul.u32 @!p1 $0xC8, s15  }
0x22: {  	s16 =	sxor.u32 @!p1 $0xFFFFFFFF, s11;
	s17 =	smul.u32 @!p1 $0xC80, s10  }
0x23: {  	s31 =	sadd.s32 $0xFFFFFFFF, s11;
	s16 =	sshll.u32 @!p1 s16, $0xD;
	s14 =	ssub.s32 @!p1 s14, s15  }
0x24: {  	s15 =	sand.u32 @!p1 $0x2000, s16;
	s16 =	sadd.s32 @!p1 s6, s17;
	s14 =	sshll.u32 @!p1 s14, $0x4  }
0x25: {  	s17 =	simm.s32 @!p1 $0x6400;
	s14 =	sadd.s32 @!p1 s14, s16;
	s16 =	simm.s32 @!p1 $0x40  }
0x26: {  	[tilespmem:s15], [sflag:$0x1] =	stream.strided.gather @!p1 [hbm4b:s14+s16], $0x2000, s17, s16, $0x38;
	[tilespmem:$0x8080] =	vst v63  }
0x27: {  	p1 =	sge.u32 s31, s5  }
.Ltmp2:
0x28: {  	_ = 	snop;
	(pc) =	sbr.rel @p1 .LBB1_5-.Ltmp2, $1  }
0x29: {  	_ =	sdelay $0x3  }
0x2a: {  	s14 =	simm.s32 $0x1  }
0x2b: {  	_ =	swait.ge [sflag:s4], $0x2000;
	s14 =	simm.s32 @!p0 $0x0  }
0x2c: {  	[sflag:s4] =	ssyncset.done $0x0;
	s15 =	sshll.u32 s14, $0xD  }
0x2d: {  	[sflag:s4] =	ssyncadd.s32 $0xFFFFE000;
	s18 =	sor.u32 $0x20, s15  }
0x2e: {  	s14 =	smul.u32 $0x8100, s14;
	v3 =	vld [tilespmem:s18+$0x10]  }
0x2f: {  	s30 =	sand.u32 $0x1, s11;
	v2 =	vld [tilespmem:s18+$0xFFFFFFF0]  }
0x30: {  	s15 =	smul.u32 $0x8100, s30;
	s14 =	sshrl.u32 s14, $0x2;
	v0 =	vld [tilespmem:s18+$0x0]  }
0x31: {  	v1 =	vld [tilespmem:s18+$0xFFFFFFE0];
	s16 =	sor.u32 $0x4000, s14  }
0x32: {  	s31 =	sshrl.u32 s15, $0x2;
	s15 =	sadd.s32 $0x0, s16  }
0x33: {  	s17 =	simm.s32 $0x4;
	s18 =	sadd.s32 $0x40, s18;
	s14 =	sor.u32 $0x4000, s31;
	[tilespmem:s15+$0x1830 ss:$0x81] =	vst.msk $0xffff, v3  }
.LBB1_3:
0x34: {  	v3 =	vld [tilespmem:s18+$0x10];
	p1 =	sne.s32 s17, $0x1FC;
	[tilespmem:s15+$0x810 ss:$0x81] =	vst.msk $0xffff, v2;
	s19 =	smov.u32 s17;
	s17 =	sadd.s32 $0x4, s17  }
.Ltmp3:
0x35: {  	v2 =	vld [tilespmem:s18+$0xFFFFFFF0];
	[tilespmem:s15+$0x1020 ss:$0x81] =	vst.msk $0xffff, v0;
	(pc) =	sbr.rel @p1 .LBB1_3-.Ltmp3, $4  }
0x36: {  	v0 =	vld [tilespmem:s18+$0x0];
	[tilespmem:s15+$0x0 ss:$0x81] =	vst.msk $0xffff, v1  }
0x37: {  	s15 =	sshra.s32 s19, $0x2;
	v1 =	vld [tilespmem:s18+$0xFFFFFFE0]  }
0x38: {  	s15 =	sadd.s32 s15, s16  }
0x39: {  	s18 =	sadd.s32 $0x40, s18;
	[tilespmem:s15+$0x1830 ss:$0x81] =	vst.msk $0xffff, v3  }
.Ltmp4:
0x3a: {  	_ = 	snop;
	(pc) =	sbr.rel .LBB1_4-.Ltmp4, $1  }
0x3b: {  	_ =	sdelay $0x3  }
.LBB1_6:
0x3c: {  	_ =	sfence.sel $0x180000  }
0x3d: {  	s2 =	simm.s32 $0x1;
	[bflag:$0x0] =	sbarrier.arrive $0xFFFF  }
0x3e: {  	s31 =	simm.s32 $0x2;
	[sflag:s2] =	ssyncpa.u1 $0x1  }
0x3f: {  	[sflag:s31] =	ssyncpa.u1 $0x1  }
0x40: {  	p0 =	sne.s32 s0, $0x0;
	_ =	strace $0x9000004A  }
0x41: {  	s0 =	sadd.s32 @!p0 $0x100000, s1;
	[bflag:$0x2] =	sbarrier.arrive $0xFFFF  }
0x42: {  	[sflag:s0] =	ssyncadd.tile.s32 @!p0 $0x1;
	_ =	shalt  }
.Lfunc_end1:
_tile_overlayer_lowered:
.L_overlay_start_2:
0x43: {  	(tag) =	ssettag $0x2  }
0x44: {  	s0 =	rddreg [dreg:$0x0];
	s2 =	stileid.u32  }
0x45: {  	s1 =	rddreg [dreg:$0x1];
	p0 =	sne.s32 s2, $0x0  }
0x46: {  	s3 =	rddreg [dreg:$0x2];
	[bflag:$0x3] =	sbarrier.arrive $0xFFFF;
	s2 =	simm.s32 @!p0 $0x1C01  }
0x47: {  	[timem:s3], [sflag:s2] =	dma.local @!p0 [hbm:s0], s1  }
0x48: {  	s0 =	simm.s32 @!p0 $0x1  }
0x49: {  	_ =	swait.ge @!p0 [sflag:s0], s1  }
0x4a: {  	s1 =	ssub.s32 @!p0 $0x0, s1;
	[sflag:s0] =	ssyncset.done @!p0 $0x0  }
0x4b: {  	[sflag:s0] =	ssyncadd.s32 @!p0 s1  }
0x4c: {  	[bflag:$0x3] =	sbarrier.arrive $0xFFFF  }
0x4d: {  	_ =	shalt  }

</sc_bundles>
